<compile_context>
chip_gen: v7x
topology: tpu7x:2x2x1
jax: 0.10.2.dev20260603
libtpu: 0.0.44.dev20260713+nightly
codegen_flags: <defaults>
</compile_context>

<pallas_src>
import functools

import jax
from jax import lax
from jax.experimental import pallas as pl
from jax.experimental.pallas import tpu as pltpu
from jax.experimental.pallas import tpu_sc as plsc


def _make_sc_broadcast(batch, n_sents, emb, dtype):
    info = plsc.get_sparse_core_info()
    nc, ns = info.num_cores, info.num_subcores
    nw = nc * ns
    b_per_w = batch // nw
    mesh = plsc.VectorSubcoreMesh(core_axis_name="c", subcore_axis_name="s")

    half = b_per_w // 2

    @functools.partial(
        pl.kernel,
        mesh=mesh,
        out_type=jax.ShapeDtypeStruct((batch, n_sents, emb), dtype),
        scratch_types=[
            pltpu.VMEM((n_sents, emb), dtype),
            pltpu.VMEM_SHARED((n_sents, emb), dtype),
            pltpu.SemaphoreType.DMA,
        ],
    )
    def k(tbl_hbm, out_hbm, tbl_v, tbl_sh, sem):
        sid = lax.axis_index("s")
        wid = sid * nc + lax.axis_index("c")
        base = wid * b_per_w
        pltpu.sync_copy(tbl_hbm.at[pl.ds(0, n_sents)], tbl_v)

        @pl.when(sid == 0)
        def _fill_shared():
            pltpu.sync_copy(tbl_v, tbl_sh)

        plsc.subcore_barrier()
        copies = []
        for i in range(half):
            copies.append(pltpu.async_copy(tbl_v, out_hbm.at[base + i], sem))
            copies.append(
                pltpu.async_copy(tbl_sh, out_hbm.at[base + half + i], sem)
            )
        for i in range(2 * half, b_per_w):
            copies.append(pltpu.async_copy(tbl_v, out_hbm.at[base + i], sem))
        for c in copies:
            c.wait()

    return k


def kernel(top_vecs, tok_struct_vec, sent_struct_vec, pos_table):
    batch, n_sents = top_vecs.shape[0], top_vecs.shape[1]
    emb = pos_table.shape[1]
    sc_fn = _make_sc_broadcast(batch, n_sents, emb, pos_table.dtype)
    return sc_fn(pos_table)

# --- scband reference (transcript-rebuilt; emitter-appended) ---
"""Pipeline reference for scband-lpsent-add-emb-pos-77936476553928 (READ-ONLY COPY).

The authoritative reference and input builder live on the scoring server;
editing this copy changes nothing except your own understanding.
"""

import jax, jax.numpy as jnp
import numpy as np


def setup_inputs(seed: int = 0) -> dict:
    key = jax.random.key(seed)
    k1, k2, k3, k4 = jax.random.split(key, 4)
    top_vecs = jax.random.normal(k1, (1024, 200, 256), dtype=jnp.float32)
    tok_struct_vec = jax.random.normal(k2, (1024, 200, 128), dtype=jnp.float32)
    sent_struct_vec = jax.random.normal(k3, (1024, 200, 128), dtype=jnp.float32)
    # learned parameter: position embedding table [max_nsent, hidden_size//2] = [512, 128]
    pos_table = jax.random.normal(k4, (512, 128), dtype=jnp.float32) * 0.02
    return {
        "top_vecs": top_vecs,
        "tok_struct_vec": tok_struct_vec,
        "sent_struct_vec": sent_struct_vec,
        "pos_table": pos_table,
    }


def reference(top_vecs, tok_struct_vec, sent_struct_vec, pos_table):
    # Faithful translation of LPSentAddEmbPOS.forward with position_ids=None:
    # position_ids = arange(n_sents) expanded to [batch, n_sents];
    # returns position_embeddings = table[position_ids].
    batch_size, n_sents = top_vecs.shape[0], top_vecs.shape[1]
    position_ids = jnp.arange(n_sents, dtype=jnp.int32)
    position_ids = jnp.broadcast_to(position_ids[None, :], (batch_size, n_sents))
    position_embeddings = jnp.take(pos_table, position_ids, axis=0)
    return position_embeddings

if __name__ == "__main__":
    import jax
    _d = setup_inputs()
    print(jax.jit(kernel)(*tuple(_d.values())))

</pallas_src>

<mosaic_0001>
#map = affine_map<(d0, d1) -> (0, 0)>
#map1 = affine_map<(d0, d1) -> (0, 0, 0)>
module attributes {stable_mosaic.version = 14 : i64} {
  func.func @k(%arg0: i32, %arg1: i32, %arg2: memref<512x128xf32, #tpu.memory_space<hbm>>, %arg3: memref<1024x200x128xf32, #tpu.memory_space<hbm>>, %arg4: memref<200x128xf32, #tpu.memory_space<vmem>>, %arg5: memref<200x128xf32, #tpu.memory_space<vmem_shared>>, %arg6: memref<!tpu.dma_semaphore, #tpu.memory_space<semaphore_mem>>) attributes {dimension_semantics = [#tpu.dimension_semantics<core_parallel>, #tpu.dimension_semantics<subcore_parallel>], iteration_bounds = array<i64: 2, 16>, scalar_prefetch = 0 : i64, scratch_operands = 3 : i64, tpu.core_type = #tpu.core_type<sc_vector_subcore>, window_params = [{transform_indices = #map}, {transform_indices = #map1}]} {
    %mul3A = arith.constant 2 : i32
    %mul3A_0 = arith.muli %arg1, %mul3A : i32
    %add3A = arith.addi %mul3A_0, %arg0 : i32
    %mul3A_1 = arith.constant 32 : i32
    %mul3A_2 = arith.muli %add3A, %mul3A_1 : i32
    "tpu.region"() ({
      %run_scoped3A = tpu.sem_alloc : memref<!tpu.dma_semaphore, #tpu.memory_space<semaphore_mem>>
      %dma_start3A_483 = arith.constant 0 : i32
      %dma_start3A_484 = arith.constant 0 : i32
      %dma_start3A_485 = tpu.memref_slice %arg2[%dma_start3A_483, %dma_start3A_484] : memref<512x128xf32, #tpu.memory_space<hbm>> -> memref<200x128xf32, #tpu.memory_space<hbm>>
      %dma_start3A_486 = arith.constant 0 : i32
      %dma_start3A_487 = arith.constant 0 : i32
      %dma_start3A_488 = tpu.memref_slice %arg2[%dma_start3A_486, %dma_start3A_487] : memref<512x128xf32, #tpu.memory_space<hbm>> -> memref<200x128xf32, #tpu.memory_space<hbm>>
      tpu.enqueue_dma source(%dma_start3A_488 : memref<200x128xf32, #tpu.memory_space<hbm>>) target(%arg4 : memref<200x128xf32, #tpu.memory_space<vmem>>) target_semaphore(%run_scoped3A : memref<!tpu.dma_semaphore, #tpu.memory_space<semaphore_mem>>)
      %dma_wait3A_489 = arith.constant 0 : i32
      %dma_wait3A_490 = arith.constant 0 : i32
      %dma_wait3A_491 = tpu.memref_slice %arg2[%dma_wait3A_489, %dma_wait3A_490] : memref<512x128xf32, #tpu.memory_space<hbm>> -> memref<200x128xf32, #tpu.memory_space<hbm>>
      %dma_wait3A_492 = arith.constant 0 : i32
      %dma_wait3A_493 = arith.constant 0 : i32
      %dma_wait3A_494 = tpu.memref_slice %arg2[%dma_wait3A_492, %dma_wait3A_493] : memref<512x128xf32, #tpu.memory_space<hbm>> -> memref<200x128xf32, #tpu.memory_space<hbm>>
      tpu.wait_dma2 semaphore(%run_scoped3A : memref<!tpu.dma_semaphore, #tpu.memory_space<semaphore_mem>>) src(%dma_wait3A_494 : memref<200x128xf32, #tpu.memory_space<hbm>>) dst(%arg4 : memref<200x128xf32, #tpu.memory_space<vmem>>)
      tpu.yield
    }) : () -> ()
    %eq3A = arith.constant 0 : i32
    %eq3A_3 = arith.cmpi eq, %arg1, %eq3A : i32
    %convert_element_type3A = arith.extui %eq3A_3 : i1 to i32
    %cond3A = arith.constant 0 : i32
    %cond3A_4 = arith.cmpi ne, %convert_element_type3A, %cond3A : i32
    scf.if %cond3A_4 {
      "tpu.region"() ({
        %run_scoped3A = tpu.sem_alloc : memref<!tpu.dma_semaphore, #tpu.memory_space<semaphore_mem>>
        tpu.enqueue_dma source(%arg4 : memref<200x128xf32, #tpu.memory_space<vmem>>) target(%arg5 : memref<200x128xf32, #tpu.memory_space<vmem_shared>>) target_semaphore(%run_scoped3A : memref<!tpu.dma_semaphore, #tpu.memory_space<semaphore_mem>>)
        tpu.wait_dma2 semaphore(%run_scoped3A : memref<!tpu.dma_semaphore, #tpu.memory_space<semaphore_mem>>) src(%arg4 : memref<200x128xf32, #tpu.memory_space<vmem>>) dst(%arg5 : memref<200x128xf32, #tpu.memory_space<vmem_shared>>)
        tpu.yield
      }) : () -> ()
    } else {
    }
    %barrier3A = arith.constant 0 : index
    tpu.barrier barrier_id(%barrier3A)
    %add3A_5 = arith.constant 0 : i32
    %add3A_6 = arith.addi %mul3A_2, %add3A_5 : i32
    %dma_start3A = arith.constant 0 : i32
    %dma_start3A_7 = arith.constant 0 : i32
    %dma_start3A_8 = tpu.memref_slice %arg3[%add3A_6, %dma_start3A, %dma_start3A_7] : memref<1024x200x128xf32, #tpu.memory_space<hbm>> -> memref<1x200x128xf32, #tpu.memory_space<hbm>>
    %dma_start3A_9 = tpu.memref_squeeze %dma_start3A_8 : memref<1x200x128xf32, #tpu.memory_space<hbm>> -> memref<200x128xf32, #tpu.memory_space<hbm>>
    %dma_start3A_10 = arith.constant 0 : i32
    %dma_start3A_11 = arith.constant 0 : i32
    %dma_start3A_12 = tpu.memref_slice %arg3[%add3A_6, %dma_start3A_10, %dma_start3A_11] : memref<1024x200x128xf32, #tpu.memory_space<hbm>> -> memref<1x200x128xf32, #tpu.memory_space<hbm>>
    %dma_start3A_13 = tpu.memref_squeeze %dma_start3A_12 : memref<1x200x128xf32, #tpu.memory_space<hbm>> -> memref<200x128xf32, #tpu.memory_space<hbm>>
    tpu.enqueue_dma source(%arg4 : memref<200x128xf32, #tpu.memory_space<vmem>>) target(%dma_start3A_13 : memref<200x128xf32, #tpu.memory_space<hbm>>) target_semaphore(%arg6 : memref<!tpu.dma_semaphore, #tpu.memory_space<semaphore_mem>>)
    %add3A_14 = arith.constant 16 : i32
    %add3A_15 = arith.addi %mul3A_2, %add3A_14 : i32
    %add3A_16 = arith.constant 0 : i32
    %add3A_17 = arith.addi %add3A_15, %add3A_16 : i32
    %dma_start3A_18 = arith.constant 0 : i32
    %dma_start3A_19 = arith.constant 0 : i32
    %dma_start3A_20 = tpu.memref_slice %arg3[%add3A_17, %dma_start3A_18, %dma_start3A_19] : memref<1024x200x128xf32, #tpu.memory_space<hbm>> -> memref<1x200x128xf32, #tpu.memory_space<hbm>>
    %dma_start3A_21 = tpu.memref_squeeze %dma_start3A_20 : memref<1x200x128xf32, #tpu.memory_space<hbm>> -> memref<200x128xf32, #tpu.memory_space<hbm>>
    tpu.enqueue_dma source(%arg5 : memref<200x128xf32, #tpu.memory_space<vmem_shared>>) target(%dma_start3A_21 : memref<200x128xf32, #tpu.memory_space<hbm>>) target_semaphore(%arg6 : memref<!tpu.dma_semaphore, #tpu.memory_space<semaphore_mem>>)
    %add3A_22 = arith.constant 1 : i32
    %add3A_23 = arith.addi %mul3A_2, %add3A_22 : i32
    %dma_start3A_24 = arith.constant 0 : i32
    %dma_start3A_25 = arith.constant 0 : i32
    %dma_start3A_26 = tpu.memref_slice %arg3[%add3A_23, %dma_start3A_24, %dma_start3A_25] : memref<1024x200x128xf32, #tpu.memory_space<hbm>> -> memref<1x200x128xf32, #tpu.memory_space<hbm>>
    %dma_start3A_27 = tpu.memref_squeeze %dma_start3A_26 : memref<1x200x128xf32, #tpu.memory_space<hbm>> -> memref<200x128xf32, #tpu.memory_space<hbm>>
    %dma_start3A_28 = arith.constant 0 : i32
    %dma_start3A_29 = arith.constant 0 : i32
    %dma_start3A_30 = tpu.memref_slice %arg3[%add3A_23, %dma_start3A_28, %dma_start3A_29] : memref<1024x200x128xf32, #tpu.memory_space<hbm>> -> memref<1x200x128xf32, #tpu.memory_space<hbm>>
    %dma_start3A_31 = tpu.memref_squeeze %dma_start3A_30 : memref<1x200x128xf32, #tpu.memory_space<hbm>> -> memref<200x128xf32, #tpu.memory_space<hbm>>
    tpu.enqueue_dma source(%arg4 : memref<200x128xf32, #tpu.memory_space<vmem>>) target(%dma_start3A_31 : memref<200x128xf32, #tpu.memory_space<hbm>>) target_semaphore(%arg6 : memref<!tpu.dma_semaphore, #tpu.memory_space<semaphore_mem>>)
    %add3A_32 = arith.constant 16 : i32
    %add3A_33 = arith.addi %mul3A_2, %add3A_32 : i32
    %add3A_34 = arith.constant 1 : i32
    %add3A_35 = arith.addi %add3A_33, %add3A_34 : i32
    %dma_start3A_36 = arith.constant 0 : i32
    %dma_start3A_37 = arith.constant 0 : i32
    %dma_start3A_38 = tpu.memref_slice %arg3[%add3A_35, %dma_start3A_36, %dma_start3A_37] : memref<1024x200x128xf32, #tpu.memory_space<hbm>> -> memref<1x200x128xf32, #tpu.memory_space<hbm>>
    %dma_start3A_39 = tpu.memref_squeeze %dma_start3A_38 : memref<1x200x128xf32, #tpu.memory_space<hbm>> -> memref<200x128xf32, #tpu.memory_space<hbm>>
    tpu.enqueue_dma source(%arg5 : memref<200x128xf32, #tpu.memory_space<vmem_shared>>) target(%dma_start3A_39 : memref<200x128xf32, #tpu.memory_space<hbm>>) target_semaphore(%arg6 : memref<!tpu.dma_semaphore, #tpu.memory_space<semaphore_mem>>)
    %add3A_40 = arith.constant 2 : i32
    %add3A_41 = arith.addi %mul3A_2, %add3A_40 : i32
    %dma_start3A_42 = arith.constant 0 : i32
    %dma_start3A_43 = arith.constant 0 : i32
    %dma_start3A_44 = tpu.memref_slice %arg3[%add3A_41, %dma_start3A_42, %dma_start3A_43] : memref<1024x200x128xf32, #tpu.memory_space<hbm>> -> memref<1x200x128xf32, #tpu.memory_space<hbm>>
    %dma_start3A_45 = tpu.memref_squeeze %dma_start3A_44 : memref<1x200x128xf32, #tpu.memory_space<hbm>> -> memref<200x128xf32, #tpu.memory_space<hbm>>
    %dma_start3A_46 = arith.constant 0 : i32
    %dma_start3A_47 = arith.constant 0 : i32
    %dma_start3A_48 = tpu.memref_slice %arg3[%add3A_41, %dma_start3A_46, %dma_start3A_47] : memref<1024x200x128xf32, #tpu.memory_space<hbm>> -> memref<1x200x128xf32, #tpu.memory_space<hbm>>
    %dma_start3A_49 = tpu.memref_squeeze %dma_start3A_48 : memref<1x200x128xf32, #tpu.memory_space<hbm>> -> memref<200x128xf32, #tpu.memory_space<hbm>>
    tpu.enqueue_dma source(%arg4 : memref<200x128xf32, #tpu.memory_space<vmem>>) target(%dma_start3A_49 : memref<200x128xf32, #tpu.memory_space<hbm>>) target_semaphore(%arg6 : memref<!tpu.dma_semaphore, #tpu.memory_space<semaphore_mem>>)
    %add3A_50 = arith.constant 16 : i32
    %add3A_51 = arith.addi %mul3A_2, %add3A_50 : i32
    %add3A_52 = arith.constant 2 : i32
    %add3A_53 = arith.addi %add3A_51, %add3A_52 : i32
    %dma_start3A_54 = arith.constant 0 : i32
    %dma_start3A_55 = arith.constant 0 : i32
    %dma_start3A_56 = tpu.memref_slice %arg3[%add3A_53, %dma_start3A_54, %dma_start3A_55] : memref<1024x200x128xf32, #tpu.memory_space<hbm>> -> memref<1x200x128xf32, #tpu.memory_space<hbm>>
    %dma_start3A_57 = tpu.memref_squeeze %dma_start3A_56 : memref<1x200x128xf32, #tpu.memory_space<hbm>> -> memref<200x128xf32, #tpu.memory_space<hbm>>
    tpu.enqueue_dma source(%arg5 : memref<200x128xf32, #tpu.memory_space<vmem_shared>>) target(%dma_start3A_57 : memref<200x128xf32, #tpu.memory_space<hbm>>) target_semaphore(%arg6 : memref<!tpu.dma_semaphore, #tpu.memory_space<semaphore_mem>>)
    %add3A_58 = arith.constant 3 : i32
    %add3A_59 = arith.addi %mul3A_2, %add3A_58 : i32
    %dma_start3A_60 = arith.constant 0 : i32
    %dma_start3A_61 = arith.constant 0 : i32
    %dma_start3A_62 = tpu.memref_slice %arg3[%add3A_59, %dma_start3A_60, %dma_start3A_61] : memref<1024x200x128xf32, #tpu.memory_space<hbm>> -> memref<1x200x128xf32, #tpu.memory_space<hbm>>
    %dma_start3A_63 = tpu.memref_squeeze %dma_start3A_62 : memref<1x200x128xf32, #tpu.memory_space<hbm>> -> memref<200x128xf32, #tpu.memory_space<hbm>>
    %dma_start3A_64 = arith.constant 0 : i32
    %dma_start3A_65 = arith.constant 0 : i32
    %dma_start3A_66 = tpu.memref_slice %arg3[%add3A_59, %dma_start3A_64, %dma_start3A_65] : memref<1024x200x128xf32, #tpu.memory_space<hbm>> -> memref<1x200x128xf32, #tpu.memory_space<hbm>>
    %dma_start3A_67 = tpu.memref_squeeze %dma_start3A_66 : memref<1x200x128xf32, #tpu.memory_space<hbm>> -> memref<200x128xf32, #tpu.memory_space<hbm>>
    tpu.enqueue_dma source(%arg4 : memref<200x128xf32, #tpu.memory_space<vmem>>) target(%dma_start3A_67 : memref<200x128xf32, #tpu.memory_space<hbm>>) target_semaphore(%arg6 : memref<!tpu.dma_semaphore, #tpu.memory_space<semaphore_mem>>)
    %add3A_68 = arith.constant 16 : i32
    %add3A_69 = arith.addi %mul3A_2, %add3A_68 : i32
    %add3A_70 = arith.constant 3 : i32
    %add3A_71 = arith.addi %add3A_69, %add3A_70 : i32
    %dma_start3A_72 = arith.constant 0 : i32
    %dma_start3A_73 = arith.constant 0 : i32
    %dma_start3A_74 = tpu.memref_slice %arg3[%add3A_71, %dma_start3A_72, %dma_start3A_73] : memref<1024x200x128xf32, #tpu.memory_space<hbm>> -> memref<1x200x128xf32, #tpu.memory_space<hbm>>
    %dma_start3A_75 = tpu.memref_squeeze %dma_start3A_74 : memref<1x200x128xf32, #tpu.memory_space<hbm>> -> memref<200x128xf32, #tpu.memory_space<hbm>>
    tpu.enqueue_dma source(%arg5 : memref<200x128xf32, #tpu.memory_space<vmem_shared>>) target(%dma_start3A_75 : memref<200x128xf32, #tpu.memory_space<hbm>>) target_semaphore(%arg6 : memref<!tpu.dma_semaphore, #tpu.memory_space<semaphore_mem>>)
    %add3A_76 = arith.constant 4 : i32
    %add3A_77 = arith.addi %mul3A_2, %add3A_76 : i32
    %dma_start3A_78 = arith.constant 0 : i32
    %dma_start3A_79 = arith.constant 0 : i32
    %dma_start3A_80 = tpu.memref_slice %arg3[%add3A_77, %dma_start3A_78, %dma_start3A_79] : memref<1024x200x128xf32, #tpu.memory_space<hbm>> -> memref<1x200x128xf32, #tpu.memory_space<hbm>>
    %dma_start3A_81 = tpu.memref_squeeze %dma_start3A_80 : memref<1x200x128xf32, #tpu.memory_space<hbm>> -> memref<200x128xf32, #tpu.memory_space<hbm>>
    %dma_start3A_82 = arith.constant 0 : i32
    %dma_start3A_83 = arith.constant 0 : i32
    %dma_start3A_84 = tpu.memref_slice %arg3[%add3A_77, %dma_start3A_82, %dma_start3A_83] : memref<1024x200x128xf32, #tpu.memory_space<hbm>> -> memref<1x200x128xf32, #tpu.memory_space<hbm>>
    %dma_start3A_85 = tpu.memref_squeeze %dma_start3A_84 : memref<1x200x128xf32, #tpu.memory_space<hbm>> -> memref<200x128xf32, #tpu.memory_space<hbm>>
    tpu.enqueue_dma source(%arg4 : memref<200x128xf32, #tpu.memory_space<vmem>>) target(%dma_start3A_85 : memref<200x128xf32, #tpu.memory_space<hbm>>) target_semaphore(%arg6 : memref<!tpu.dma_semaphore, #tpu.memory_space<semaphore_mem>>)
    %add3A_86 = arith.constant 16 : i32
    %add3A_87 = arith.addi %mul3A_2, %add3A_86 : i32
    %add3A_88 = arith.constant 4 : i32
    %add3A_89 = arith.addi %add3A_87, %add3A_88 : i32
    %dma_start3A_90 = arith.constant 0 : i32
    %dma_start3A_91 = arith.constant 0 : i32
    %dma_start3A_92 = tpu.memref_slice %arg3[%add3A_89, %dma_start3A_90, %dma_start3A_91] : memref<1024x200x128xf32, #tpu.memory_space<hbm>> -> memref<1x200x128xf32, #tpu.memory_space<hbm>>
    %dma_start3A_93 = tpu.memref_squeeze %dma_start3A_92 : memref<1x200x128xf32, #tpu.memory_space<hbm>> -> memref<200x128xf32, #tpu.memory_space<hbm>>
    tpu.enqueue_dma source(%arg5 : memref<200x128xf32, #tpu.memory_space<vmem_shared>>) target(%dma_start3A_93 : memref<200x128xf32, #tpu.memory_space<hbm>>) target_semaphore(%arg6 : memref<!tpu.dma_semaphore, #tpu.memory_space<semaphore_mem>>)
    %add3A_94 = arith.constant 5 : i32
    %add3A_95 = arith.addi %mul3A_2, %add3A_94 : i32
    %dma_start3A_96 = arith.constant 0 : i32
    %dma_start3A_97 = arith.constant 0 : i32
    %dma_start3A_98 = tpu.memref_slice %arg3[%add3A_95, %dma_start3A_96, %dma_start3A_97] : memref<1024x200x128xf32, #tpu.memory_space<hbm>> -> memref<1x200x128xf32, #tpu.memory_space<hbm>>
    %dma_start3A_99 = tpu.memref_squeeze %dma_start3A_98 : memref<1x200x128xf32, #tpu.memory_space<hbm>> -> memref<200x128xf32, #tpu.memory_space<hbm>>
    %dma_start3A_100 = arith.constant 0 : i32
    %dma_start3A_101 = arith.constant 0 : i32
    %dma_start3A_102 = tpu.memref_slice %arg3[%add3A_95, %dma_start3A_100, %dma_start3A_101] : memref<1024x200x128xf32, #tpu.memory_space<hbm>> -> memref<1x200x128xf32, #tpu.memory_space<hbm>>
    %dma_start3A_103 = tpu.memref_squeeze %dma_start3A_102 : memref<1x200x128xf32, #tpu.memory_space<hbm>> -> memref<200x128xf32, #tpu.memory_space<hbm>>
    tpu.enqueue_dma source(%arg4 : memref<200x128xf32, #tpu.memory_space<vmem>>) target(%dma_start3A_103 : memref<200x128xf32, #tpu.memory_space<hbm>>) target_semaphore(%arg6 : memref<!tpu.dma_semaphore, #tpu.memory_space<semaphore_mem>>)
    %add3A_104 = arith.constant 16 : i32
    %add3A_105 = arith.addi %mul3A_2, %add3A_104 : i32
    %add3A_106 = arith.constant 5 : i32
    %add3A_107 = arith.addi %add3A_105, %add3A_106 : i32
    %dma_start3A_108 = arith.constant 0 : i32
    %dma_start3A_109 = arith.constant 0 : i32
    %dma_start3A_110 = tpu.memref_slice %arg3[%add3A_107, %dma_start3A_108, %dma_start3A_109] : memref<1024x200x128xf32, #tpu.memory_space<hbm>> -> memref<1x200x128xf32, #tpu.memory_space<hbm>>
    %dma_start3A_111 = tpu.memref_squeeze %dma_start3A_110 : memref<1x200x128xf32, #tpu.memory_space<hbm>> -> memref<200x128xf32, #tpu.memory_space<hbm>>
    tpu.enqueue_dma source(%arg5 : memref<200x128xf32, #tpu.memory_space<vmem_shared>>) target(%dma_start3A_111 : memref<200x128xf32, #tpu.memory_space<hbm>>) target_semaphore(%arg6 : memref<!tpu.dma_semaphore, #tpu.memory_space<semaphore_mem>>)
    %add3A_112 = arith.constant 6 : i32
    %add3A_113 = arith.addi %mul3A_2, %add3A_112 : i32
    %dma_start3A_114 = arith.constant 0 : i32
    %dma_start3A_115 = arith.constant 0 : i32
    %dma_start3A_116 = tpu.memref_slice %arg3[%add3A_113, %dma_start3A_114, %dma_start3A_115] : memref<1024x200x128xf32, #tpu.memory_space<hbm>> -> memref<1x200x128xf32, #tpu.memory_space<hbm>>
    %dma_start3A_117 = tpu.memref_squeeze %dma_start3A_116 : memref<1x200x128xf32, #tpu.memory_space<hbm>> -> memref<200x128xf32, #tpu.memory_space<hbm>>
    %dma_start3A_118 = arith.constant 0 : i32
    %dma_start3A_119 = arith.constant 0 : i32
    %dma_start3A_120 = tpu.memref_slice %arg3[%add3A_113, %dma_start3A_118, %dma_start3A_119] : memref<1024x200x128xf32, #tpu.memory_space<hbm>> -> memref<1x200x128xf32, #tpu.memory_space<hbm>>
    %dma_start3A_121 = tpu.memref_squeeze %dma_start3A_120 : memref<1x200x128xf32, #tpu.memory_space<hbm>> -> memref<200x128xf32, #tpu.memory_space<hbm>>
    tpu.enqueue_dma source(%arg4 : memref<200x128xf32, #tpu.memory_space<vmem>>) target(%dma_start3A_121 : memref<200x128xf32, #tpu.memory_space<hbm>>) target_semaphore(%arg6 : memref<!tpu.dma_semaphore, #tpu.memory_space<semaphore_mem>>)
    %add3A_122 = arith.constant 16 : i32
    %add3A_123 = arith.addi %mul3A_2, %add3A_122 : i32
    %add3A_124 = arith.constant 6 : i32
    %add3A_125 = arith.addi %add3A_123, %add3A_124 : i32
    %dma_start3A_126 = arith.constant 0 : i32
    %dma_start3A_127 = arith.constant 0 : i32
    %dma_start3A_128 = tpu.memref_slice %arg3[%add3A_125, %dma_start3A_126, %dma_start3A_127] : memref<1024x200x128xf32, #tpu.memory_space<hbm>> -> memref<1x200x128xf32, #tpu.memory_space<hbm>>
    %dma_start3A_129 = tpu.memref_squeeze %dma_start3A_128 : memref<1x200x128xf32, #tpu.memory_space<hbm>> -> memref<200x128xf32, #tpu.memory_space<hbm>>
    tpu.enqueue_dma source(%arg5 : memref<200x128xf32, #tpu.memory_space<vmem_shared>>) target(%dma_start3A_129 : memref<200x128xf32, #tpu.memory_space<hbm>>) target_semaphore(%arg6 : memref<!tpu.dma_semaphore, #tpu.memory_space<semaphore_mem>>)
    %add3A_130 = arith.constant 7 : i32
    %add3A_131 = arith.addi %mul3A_2, %add3A_130 : i32
    %dma_start3A_132 = arith.constant 0 : i32
    %dma_start3A_133 = arith.constant 0 : i32
    %dma_start3A_134 = tpu.memref_slice %arg3[%add3A_131, %dma_start3A_132, %dma_start3A_133] : memref<1024x200x128xf32, #tpu.memory_space<hbm>> -> memref<1x200x128xf32, #tpu.memory_space<hbm>>
    %dma_start3A_135 = tpu.memref_squeeze %dma_start3A_134 : memref<1x200x128xf32, #tpu.memory_space<hbm>> -> memref<200x128xf32, #tpu.memory_space<hbm>>
    %dma_start3A_136 = arith.constant 0 : i32
    %dma_start3A_137 = arith.constant 0 : i32
    %dma_start3A_138 = tpu.memref_slice %arg3[%add3A_131, %dma_start3A_136, %dma_start3A_137] : memref<1024x200x128xf32, #tpu.memory_space<hbm>> -> memref<1x200x128xf32, #tpu.memory_space<hbm>>
    %dma_start3A_139 = tpu.memref_squeeze %dma_start3A_138 : memref<1x200x128xf32, #tpu.memory_space<hbm>> -> memref<200x128xf32, #tpu.memory_space<hbm>>
    tpu.enqueue_dma source(%arg4 : memref<200x128xf32, #tpu.memory_space<vmem>>) target(%dma_start3A_139 : memref<200x128xf32, #tpu.memory_space<hbm>>) target_semaphore(%arg6 : memref<!tpu.dma_semaphore, #tpu.memory_space<semaphore_mem>>)
    %add3A_140 = arith.constant 16 : i32
    %add3A_141 = arith.addi %mul3A_2, %add3A_140 : i32
    %add3A_142 = arith.constant 7 : i32
    %add3A_143 = arith.addi %add3A_141, %add3A_142 : i32
    %dma_start3A_144 = arith.constant 0 : i32
    %dma_start3A_145 = arith.constant 0 : i32
    %dma_start3A_146 = tpu.memref_slice %arg3[%add3A_143, %dma_start3A_144, %dma_start3A_145] : memref<1024x200x128xf32, #tpu.memory_space<hbm>> -> memref<1x200x128xf32, #tpu.memory_space<hbm>>
    %dma_start3A_147 = tpu.memref_squeeze %dma_start3A_146 : memref<1x200x128xf32, #tpu.memory_space<hbm>> -> memref<200x128xf32, #tpu.memory_space<hbm>>
    tpu.enqueue_dma source(%arg5 : memref<200x128xf32, #tpu.memory_space<vmem_shared>>) target(%dma_start3A_147 : memref<200x128xf32, #tpu.memory_space<hbm>>) target_semaphore(%arg6 : memref<!tpu.dma_semaphore, #tpu.memory_space<semaphore_mem>>)
    %add3A_148 = arith.constant 8 : i32
    %add3A_149 = arith.addi %mul3A_2, %add3A_148 : i32
    %dma_start3A_150 = arith.constant 0 : i32
    %dma_start3A_151 = arith.constant 0 : i32
    %dma_start3A_152 = tpu.memref_slice %arg3[%add3A_149, %dma_start3A_150, %dma_start3A_151] : memref<1024x200x128xf32, #tpu.memory_space<hbm>> -> memref<1x200x128xf32, #tpu.memory_space<hbm>>
    %dma_start3A_153 = tpu.memref_squeeze %dma_start3A_152 : memref<1x200x128xf32, #tpu.memory_space<hbm>> -> memref<200x128xf32, #tpu.memory_space<hbm>>
    %dma_start3A_154 = arith.constant 0 : i32
    %dma_start3A_155 = arith.constant 0 : i32
    %dma_start3A_156 = tpu.memref_slice %arg3[%add3A_149, %dma_start3A_154, %dma_start3A_155] : memref<1024x200x128xf32, #tpu.memory_space<hbm>> -> memref<1x200x128xf32, #tpu.memory_space<hbm>>
    %dma_start3A_157 = tpu.memref_squeeze %dma_start3A_156 : memref<1x200x128xf32, #tpu.memory_space<hbm>> -> memref<200x128xf32, #tpu.memory_space<hbm>>
    tpu.enqueue_dma source(%arg4 : memref<200x128xf32, #tpu.memory_space<vmem>>) target(%dma_start3A_157 : memref<200x128xf32, #tpu.memory_space<hbm>>) target_semaphore(%arg6 : memref<!tpu.dma_semaphore, #tpu.memory_space<semaphore_mem>>)
    %add3A_158 = arith.constant 16 : i32
    %add3A_159 = arith.addi %mul3A_2, %add3A_158 : i32
    %add3A_160 = arith.constant 8 : i32
    %add3A_161 = arith.addi %add3A_159, %add3A_160 : i32
    %dma_start3A_162 = arith.constant 0 : i32
    %dma_start3A_163 = arith.constant 0 : i32
    %dma_start3A_164 = tpu.memref_slice %arg3[%add3A_161, %dma_start3A_162, %dma_start3A_163] : memref<1024x200x128xf32, #tpu.memory_space<hbm>> -> memref<1x200x128xf32, #tpu.memory_space<hbm>>
    %dma_start3A_165 = tpu.memref_squeeze %dma_start3A_164 : memref<1x200x128xf32, #tpu.memory_space<hbm>> -> memref<200x128xf32, #tpu.memory_space<hbm>>
    tpu.enqueue_dma source(%arg5 : memref<200x128xf32, #tpu.memory_space<vmem_shared>>) target(%dma_start3A_165 : memref<200x128xf32, #tpu.memory_space<hbm>>) target_semaphore(%arg6 : memref<!tpu.dma_semaphore, #tpu.memory_space<semaphore_mem>>)
    %add3A_166 = arith.constant 9 : i32
    %add3A_167 = arith.addi %mul3A_2, %add3A_166 : i32
    %dma_start3A_168 = arith.constant 0 : i32
    %dma_start3A_169 = arith.constant 0 : i32
    %dma_start3A_170 = tpu.memref_slice %arg3[%add3A_167, %dma_start3A_168, %dma_start3A_169] : memref<1024x200x128xf32, #tpu.memory_space<hbm>> -> memref<1x200x128xf32, #tpu.memory_space<hbm>>
    %dma_start3A_171 = tpu.memref_squeeze %dma_start3A_170 : memref<1x200x128xf32, #tpu.memory_space<hbm>> -> memref<200x128xf32, #tpu.memory_space<hbm>>
    %dma_start3A_172 = arith.constant 0 : i32
    %dma_start3A_173 = arith.constant 0 : i32
    %dma_start3A_174 = tpu.memref_slice %arg3[%add3A_167, %dma_start3A_172, %dma_start3A_173] : memref<1024x200x128xf32, #tpu.memory_space<hbm>> -> memref<1x200x128xf32, #tpu.memory_space<hbm>>
    %dma_start3A_175 = tpu.memref_squeeze %dma_start3A_174 : memref<1x200x128xf32, #tpu.memory_space<hbm>> -> memref<200x128xf32, #tpu.memory_space<hbm>>
    tpu.enqueue_dma source(%arg4 : memref<200x128xf32, #tpu.memory_space<vmem>>) target(%dma_start3A_175 : memref<200x128xf32, #tpu.memory_space<hbm>>) target_semaphore(%arg6 : memref<!tpu.dma_semaphore, #tpu.memory_space<semaphore_mem>>)
    %add3A_176 = arith.constant 16 : i32
    %add3A_177 = arith.addi %mul3A_2, %add3A_176 : i32
    %add3A_178 = arith.constant 9 : i32
    %add3A_179 = arith.addi %add3A_177, %add3A_178 : i32
    %dma_start3A_180 = arith.constant 0 : i32
    %dma_start3A_181 = arith.constant 0 : i32
    %dma_start3A_182 = tpu.memref_slice %arg3[%add3A_179, %dma_start3A_180, %dma_start3A_181] : memref<1024x200x128xf32, #tpu.memory_space<hbm>> -> memref<1x200x128xf32, #tpu.memory_space<hbm>>
    %dma_start3A_183 = tpu.memref_squeeze %dma_start3A_182 : memref<1x200x128xf32, #tpu.memory_space<hbm>> -> memref<200x128xf32, #tpu.memory_space<hbm>>
    tpu.enqueue_dma source(%arg5 : memref<200x128xf32, #tpu.memory_space<vmem_shared>>) target(%dma_start3A_183 : memref<200x128xf32, #tpu.memory_space<hbm>>) target_semaphore(%arg6 : memref<!tpu.dma_semaphore, #tpu.memory_space<semaphore_mem>>)
    %add3A_184 = arith.constant 10 : i32
    %add3A_185 = arith.addi %mul3A_2, %add3A_184 : i32
    %dma_start3A_186 = arith.constant 0 : i32
    %dma_start3A_187 = arith.constant 0 : i32
    %dma_start3A_188 = tpu.memref_slice %arg3[%add3A_185, %dma_start3A_186, %dma_start3A_187] : memref<1024x200x128xf32, #tpu.memory_space<hbm>> -> memref<1x200x128xf32, #tpu.memory_space<hbm>>
    %dma_start3A_189 = tpu.memref_squeeze %dma_start3A_188 : memref<1x200x128xf32, #tpu.memory_space<hbm>> -> memref<200x128xf32, #tpu.memory_space<hbm>>
    %dma_start3A_190 = arith.constant 0 : i32
    %dma_start3A_191 = arith.constant 0 : i32
    %dma_start3A_192 = tpu.memref_slice %arg3[%add3A_185, %dma_start3A_190, %dma_start3A_191] : memref<1024x200x128xf32, #tpu.memory_space<hbm>> -> memref<1x200x128xf32, #tpu.memory_space<hbm>>
    %dma_start3A_193 = tpu.memref_squeeze %dma_start3A_192 : memref<1x200x128xf32, #tpu.memory_space<hbm>> -> memref<200x128xf32, #tpu.memory_space<hbm>>
    tpu.enqueue_dma source(%arg4 : memref<200x128xf32, #tpu.memory_space<vmem>>) target(%dma_start3A_193 : memref<200x128xf32, #tpu.memory_space<hbm>>) target_semaphore(%arg6 : memref<!tpu.dma_semaphore, #tpu.memory_space<semaphore_mem>>)
    %add3A_194 = arith.constant 16 : i32
    %add3A_195 = arith.addi %mul3A_2, %add3A_194 : i32
    %add3A_196 = arith.constant 10 : i32
    %add3A_197 = arith.addi %add3A_195, %add3A_196 : i32
    %dma_start3A_198 = arith.constant 0 : i32
    %dma_start3A_199 = arith.constant 0 : i32
    %dma_start3A_200 = tpu.memref_slice %arg3[%add3A_197, %dma_start3A_198, %dma_start3A_199] : memref<1024x200x128xf32, #tpu.memory_space<hbm>> -> memref<1x200x128xf32, #tpu.memory_space<hbm>>
    %dma_start3A_201 = tpu.memref_squeeze %dma_start3A_200 : memref<1x200x128xf32, #tpu.memory_space<hbm>> -> memref<200x128xf32, #tpu.memory_space<hbm>>
    tpu.enqueue_dma source(%arg5 : memref<200x128xf32, #tpu.memory_space<vmem_shared>>) target(%dma_start3A_201 : memref<200x128xf32, #tpu.memory_space<hbm>>) target_semaphore(%arg6 : memref<!tpu.dma_semaphore, #tpu.memory_space<semaphore_mem>>)
    %add3A_202 = arith.constant 11 : i32
    %add3A_203 = arith.addi %mul3A_2, %add3A_202 : i32
    %dma_start3A_204 = arith.constant 0 : i32
    %dma_start3A_205 = arith.constant 0 : i32
    %dma_start3A_206 = tpu.memref_slice %arg3[%add3A_203, %dma_start3A_204, %dma_start3A_205] : memref<1024x200x128xf32, #tpu.memory_space<hbm>> -> memref<1x200x128xf32, #tpu.memory_space<hbm>>
    %dma_start3A_207 = tpu.memref_squeeze %dma_start3A_206 : memref<1x200x128xf32, #tpu.memory_space<hbm>> -> memref<200x128xf32, #tpu.memory_space<hbm>>
    %dma_start3A_208 = arith.constant 0 : i32
    %dma_start3A_209 = arith.constant 0 : i32
    %dma_start3A_210 = tpu.memref_slice %arg3[%add3A_203, %dma_start3A_208, %dma_start3A_209] : memref<1024x200x128xf32, #tpu.memory_space<hbm>> -> memref<1x200x128xf32, #tpu.memory_space<hbm>>
    %dma_start3A_211 = tpu.memref_squeeze %dma_start3A_210 : memref<1x200x128xf32, #tpu.memory_space<hbm>> -> memref<200x128xf32, #tpu.memory_space<hbm>>
    tpu.enqueue_dma source(%arg4 : memref<200x128xf32, #tpu.memory_space<vmem>>) target(%dma_start3A_211 : memref<200x128xf32, #tpu.memory_space<hbm>>) target_semaphore(%arg6 : memref<!tpu.dma_semaphore, #tpu.memory_space<semaphore_mem>>)
    %add3A_212 = arith.constant 16 : i32
    %add3A_213 = arith.addi %mul3A_2, %add3A_212 : i32
    %add3A_214 = arith.constant 11 : i32
    %add3A_215 = arith.addi %add3A_213, %add3A_214 : i32
    %dma_start3A_216 = arith.constant 0 : i32
    %dma_start3A_217 = arith.constant 0 : i32
    %dma_start3A_218 = tpu.memref_slice %arg3[%add3A_215, %dma_start3A_216, %dma_start3A_217] : memref<1024x200x128xf32, #tpu.memory_space<hbm>> -> memref<1x200x128xf32, #tpu.memory_space<hbm>>
    %dma_start3A_219 = tpu.memref_squeeze %dma_start3A_218 : memref<1x200x128xf32, #tpu.memory_space<hbm>> -> memref<200x128xf32, #tpu.memory_space<hbm>>
    tpu.enqueue_dma source(%arg5 : memref<200x128xf32, #tpu.memory_space<vmem_shared>>) target(%dma_start3A_219 : memref<200x128xf32, #tpu.memory_space<hbm>>) target_semaphore(%arg6 : memref<!tpu.dma_semaphore, #tpu.memory_space<semaphore_mem>>)
    %add3A_220 = arith.constant 12 : i32
    %add3A_221 = arith.addi %mul3A_2, %add3A_220 : i32
    %dma_start3A_222 = arith.constant 0 : i32
    %dma_start3A_223 = arith.constant 0 : i32
    %dma_start3A_224 = tpu.memref_slice %arg3[%add3A_221, %dma_start3A_222, %dma_start3A_223] : memref<1024x200x128xf32, #tpu.memory_space<hbm>> -> memref<1x200x128xf32, #tpu.memory_space<hbm>>
    %dma_start3A_225 = tpu.memref_squeeze %dma_start3A_224 : memref<1x200x128xf32, #tpu.memory_space<hbm>> -> memref<200x128xf32, #tpu.memory_space<hbm>>
    %dma_start3A_226 = arith.constant 0 : i32
    %dma_start3A_227 = arith.constant 0 : i32
    %dma_start3A_228 = tpu.memref_slice %arg3[%add3A_221, %dma_start3A_226, %dma_start3A_227] : memref<1024x200x128xf32, #tpu.memory_space<hbm>> -> memref<1x200x128xf32, #tpu.memory_space<hbm>>
    %dma_start3A_229 = tpu.memref_squeeze %dma_start3A_228 : memref<1x200x128xf32, #tpu.memory_space<hbm>> -> memref<200x128xf32, #tpu.memory_space<hbm>>
    tpu.enqueue_dma source(%arg4 : memref<200x128xf32, #tpu.memory_space<vmem>>) target(%dma_start3A_229 : memref<200x128xf32, #tpu.memory_space<hbm>>) target_semaphore(%arg6 : memref<!tpu.dma_semaphore, #tpu.memory_space<semaphore_mem>>)
    %add3A_230 = arith.constant 16 : i32
    %add3A_231 = arith.addi %mul3A_2, %add3A_230 : i32
    %add3A_232 = arith.constant 12 : i32
    %add3A_233 = arith.addi %add3A_231, %add3A_232 : i32
    %dma_start3A_234 = arith.constant 0 : i32
    %dma_start3A_235 = arith.constant 0 : i32
    %dma_start3A_236 = tpu.memref_slice %arg3[%add3A_233, %dma_start3A_234, %dma_start3A_235] : memref<1024x200x128xf32, #tpu.memory_space<hbm>> -> memref<1x200x128xf32, #tpu.memory_space<hbm>>
    %dma_start3A_237 = tpu.memref_squeeze %dma_start3A_236 : memref<1x200x128xf32, #tpu.memory_space<hbm>> -> memref<200x128xf32, #tpu.memory_space<hbm>>
    tpu.enqueue_dma source(%arg5 : memref<200x128xf32, #tpu.memory_space<vmem_shared>>) target(%dma_start3A_237 : memref<200x128xf32, #tpu.memory_space<hbm>>) target_semaphore(%arg6 : memref<!tpu.dma_semaphore, #tpu.memory_space<semaphore_mem>>)
    %add3A_238 = arith.constant 13 : i32
    %add3A_239 = arith.addi %mul3A_2, %add3A_238 : i32
    %dma_start3A_240 = arith.constant 0 : i32
    %dma_start3A_241 = arith.constant 0 : i32
    %dma_start3A_242 = tpu.memref_slice %arg3[%add3A_239, %dma_start3A_240, %dma_start3A_241] : memref<1024x200x128xf32, #tpu.memory_space<hbm>> -> memref<1x200x128xf32, #tpu.memory_space<hbm>>
    %dma_start3A_243 = tpu.memref_squeeze %dma_start3A_242 : memref<1x200x128xf32, #tpu.memory_space<hbm>> -> memref<200x128xf32, #tpu.memory_space<hbm>>
    %dma_start3A_244 = arith.constant 0 : i32
    %dma_start3A_245 = arith.constant 0 : i32
    %dma_start3A_246 = tpu.memref_slice %arg3[%add3A_239, %dma_start3A_244, %dma_start3A_245] : memref<1024x200x128xf32, #tpu.memory_space<hbm>> -> memref<1x200x128xf32, #tpu.memory_space<hbm>>
    %dma_start3A_247 = tpu.memref_squeeze %dma_start3A_246 : memref<1x200x128xf32, #tpu.memory_space<hbm>> -> memref<200x128xf32, #tpu.memory_space<hbm>>
    tpu.enqueue_dma source(%arg4 : memref<200x128xf32, #tpu.memory_space<vmem>>) target(%dma_start3A_247 : memref<200x128xf32, #tpu.memory_space<hbm>>) target_semaphore(%arg6 : memref<!tpu.dma_semaphore, #tpu.memory_space<semaphore_mem>>)
    %add3A_248 = arith.constant 16 : i32
    %add3A_249 = arith.addi %mul3A_2, %add3A_248 : i32
    %add3A_250 = arith.constant 13 : i32
    %add3A_251 = arith.addi %add3A_249, %add3A_250 : i32
    %dma_start3A_252 = arith.constant 0 : i32
    %dma_start3A_253 = arith.constant 0 : i32
    %dma_start3A_254 = tpu.memref_slice %arg3[%add3A_251, %dma_start3A_252, %dma_start3A_253] : memref<1024x200x128xf32, #tpu.memory_space<hbm>> -> memref<1x200x128xf32, #tpu.memory_space<hbm>>
    %dma_start3A_255 = tpu.memref_squeeze %dma_start3A_254 : memref<1x200x128xf32, #tpu.memory_space<hbm>> -> memref<200x128xf32, #tpu.memory_space<hbm>>
    tpu.enqueue_dma source(%arg5 : memref<200x128xf32, #tpu.memory_space<vmem_shared>>) target(%dma_start3A_255 : memref<200x128xf32, #tpu.memory_space<hbm>>) target_semaphore(%arg6 : memref<!tpu.dma_semaphore, #tpu.memory_space<semaphore_mem>>)
    %add3A_256 = arith.constant 14 : i32
    %add3A_257 = arith.addi %mul3A_2, %add3A_256 : i32
    %dma_start3A_258 = arith.constant 0 : i32
    %dma_start3A_259 = arith.constant 0 : i32
    %dma_start3A_260 = tpu.memref_slice %arg3[%add3A_257, %dma_start3A_258, %dma_start3A_259] : memref<1024x200x128xf32, #tpu.memory_space<hbm>> -> memref<1x200x128xf32, #tpu.memory_space<hbm>>
    %dma_start3A_261 = tpu.memref_squeeze %dma_start3A_260 : memref<1x200x128xf32, #tpu.memory_space<hbm>> -> memref<200x128xf32, #tpu.memory_space<hbm>>
    %dma_start3A_262 = arith.constant 0 : i32
    %dma_start3A_263 = arith.constant 0 : i32
    %dma_start3A_264 = tpu.memref_slice %arg3[%add3A_257, %dma_start3A_262, %dma_start3A_263] : memref<1024x200x128xf32, #tpu.memory_space<hbm>> -> memref<1x200x128xf32, #tpu.memory_space<hbm>>
    %dma_start3A_265 = tpu.memref_squeeze %dma_start3A_264 : memref<1x200x128xf32, #tpu.memory_space<hbm>> -> memref<200x128xf32, #tpu.memory_space<hbm>>
    tpu.enqueue_dma source(%arg4 : memref<200x128xf32, #tpu.memory_space<vmem>>) target(%dma_start3A_265 : memref<200x128xf32, #tpu.memory_space<hbm>>) target_semaphore(%arg6 : memref<!tpu.dma_semaphore, #tpu.memory_space<semaphore_mem>>)
    %add3A_266 = arith.constant 16 : i32
    %add3A_267 = arith.addi %mul3A_2, %add3A_266 : i32
    %add3A_268 = arith.constant 14 : i32
    %add3A_269 = arith.addi %add3A_267, %add3A_268 : i32
    %dma_start3A_270 = arith.constant 0 : i32
    %dma_start3A_271 = arith.constant 0 : i32
    %dma_start3A_272 = tpu.memref_slice %arg3[%add3A_269, %dma_start3A_270, %dma_start3A_271] : memref<1024x200x128xf32, #tpu.memory_space<hbm>> -> memref<1x200x128xf32, #tpu.memory_space<hbm>>
    %dma_start3A_273 = tpu.memref_squeeze %dma_start3A_272 : memref<1x200x128xf32, #tpu.memory_space<hbm>> -> memref<200x128xf32, #tpu.memory_space<hbm>>
    tpu.enqueue_dma source(%arg5 : memref<200x128xf32, #tpu.memory_space<vmem_shared>>) target(%dma_start3A_273 : memref<200x128xf32, #tpu.memory_space<hbm>>) target_semaphore(%arg6 : memref<!tpu.dma_semaphore, #tpu.memory_space<semaphore_mem>>)
    %add3A_274 = arith.constant 15 : i32
    %add3A_275 = arith.addi %mul3A_2, %add3A_274 : i32
    %dma_start3A_276 = arith.constant 0 : i32
    %dma_start3A_277 = arith.constant 0 : i32
    %dma_start3A_278 = tpu.memref_slice %arg3[%add3A_275, %dma_start3A_276, %dma_start3A_277] : memref<1024x200x128xf32, #tpu.memory_space<hbm>> -> memref<1x200x128xf32, #tpu.memory_space<hbm>>
    %dma_start3A_279 = tpu.memref_squeeze %dma_start3A_278 : memref<1x200x128xf32, #tpu.memory_space<hbm>> -> memref<200x128xf32, #tpu.memory_space<hbm>>
    %dma_start3A_280 = arith.constant 0 : i32
    %dma_start3A_281 = arith.constant 0 : i32
    %dma_start3A_282 = tpu.memref_slice %arg3[%add3A_275, %dma_start3A_280, %dma_start3A_281] : memref<1024x200x128xf32, #tpu.memory_space<hbm>> -> memref<1x200x128xf32, #tpu.memory_space<hbm>>
    %dma_start3A_283 = tpu.memref_squeeze %dma_start3A_282 : memref<1x200x128xf32, #tpu.memory_space<hbm>> -> memref<200x128xf32, #tpu.memory_space<hbm>>
    tpu.enqueue_dma source(%arg4 : memref<200x128xf32, #tpu.memory_space<vmem>>) target(%dma_start3A_283 : memref<200x128xf32, #tpu.memory_space<hbm>>) target_semaphore(%arg6 : memref<!tpu.dma_semaphore, #tpu.memory_space<semaphore_mem>>)
    %add3A_284 = arith.constant 16 : i32
    %add3A_285 = arith.addi %mul3A_2, %add3A_284 : i32
    %add3A_286 = arith.constant 15 : i32
    %add3A_287 = arith.addi %add3A_285, %add3A_286 : i32
    %dma_start3A_288 = arith.constant 0 : i32
    %dma_start3A_289 = arith.constant 0 : i32
    %dma_start3A_290 = tpu.memref_slice %arg3[%add3A_287, %dma_start3A_288, %dma_start3A_289] : memref<1024x200x128xf32, #tpu.memory_space<hbm>> -> memref<1x200x128xf32, #tpu.memory_space<hbm>>
    %dma_start3A_291 = tpu.memref_squeeze %dma_start3A_290 : memref<1x200x128xf32, #tpu.memory_space<hbm>> -> memref<200x128xf32, #tpu.memory_space<hbm>>
    tpu.enqueue_dma source(%arg5 : memref<200x128xf32, #tpu.memory_space<vmem_shared>>) target(%dma_start3A_291 : memref<200x128xf32, #tpu.memory_space<hbm>>) target_semaphore(%arg6 : memref<!tpu.dma_semaphore, #tpu.memory_space<semaphore_mem>>)
    %dma_wait3A = arith.constant 0 : i32
    %dma_wait3A_292 = arith.constant 0 : i32
    %dma_wait3A_293 = tpu.memref_slice %arg3[%add3A_6, %dma_wait3A, %dma_wait3A_292] : memref<1024x200x128xf32, #tpu.memory_space<hbm>> -> memref<1x200x128xf32, #tpu.memory_space<hbm>>
    %dma_wait3A_294 = tpu.memref_squeeze %dma_wait3A_293 : memref<1x200x128xf32, #tpu.memory_space<hbm>> -> memref<200x128xf32, #tpu.memory_space<hbm>>
    %dma_wait3A_295 = arith.constant 0 : i32
    %dma_wait3A_296 = arith.constant 0 : i32
    %dma_wait3A_297 = tpu.memref_slice %arg3[%add3A_6, %dma_wait3A_295, %dma_wait3A_296] : memref<1024x200x128xf32, #tpu.memory_space<hbm>> -> memref<1x200x128xf32, #tpu.memory_space<hbm>>
    %dma_wait3A_298 = tpu.memref_squeeze %dma_wait3A_297 : memref<1x200x128xf32, #tpu.memory_space<hbm>> -> memref<200x128xf32, #tpu.memory_space<hbm>>
    tpu.wait_dma2 semaphore(%arg6 : memref<!tpu.dma_semaphore, #tpu.memory_space<semaphore_mem>>) src(%arg4 : memref<200x128xf32, #tpu.memory_space<vmem>>) dst(%dma_wait3A_298 : memref<200x128xf32, #tpu.memory_space<hbm>>)
    %dma_wait3A_299 = arith.constant 0 : i32
    %dma_wait3A_300 = arith.constant 0 : i32
    %dma_wait3A_301 = tpu.memref_slice %arg3[%add3A_17, %dma_wait3A_299, %dma_wait3A_300] : memref<1024x200x128xf32, #tpu.memory_space<hbm>> -> memref<1x200x128xf32, #tpu.memory_space<hbm>>
    %dma_wait3A_302 = tpu.memref_squeeze %dma_wait3A_301 : memref<1x200x128xf32, #tpu.memory_space<hbm>> -> memref<200x128xf32, #tpu.memory_space<hbm>>
    tpu.wait_dma2 semaphore(%arg6 : memref<!tpu.dma_semaphore, #tpu.memory_space<semaphore_mem>>) src(%arg5 : memref<200x128xf32, #tpu.memory_space<vmem_shared>>) dst(%dma_wait3A_302 : memref<200x128xf32, #tpu.memory_space<hbm>>)
    %dma_wait3A_303 = arith.constant 0 : i32
    %dma_wait3A_304 = arith.constant 0 : i32
    %dma_wait3A_305 = tpu.memref_slice %arg3[%add3A_23, %dma_wait3A_303, %dma_wait3A_304] : memref<1024x200x128xf32, #tpu.memory_space<hbm>> -> memref<1x200x128xf32, #tpu.memory_space<hbm>>
    %dma_wait3A_306 = tpu.memref_squeeze %dma_wait3A_305 : memref<1x200x128xf32, #tpu.memory_space<hbm>> -> memref<200x128xf32, #tpu.memory_space<hbm>>
    %dma_wait3A_307 = arith.constant 0 : i32
    %dma_wait3A_308 = arith.constant 0 : i32
    %dma_wait3A_309 = tpu.memref_slice %arg3[%add3A_23, %dma_wait3A_307, %dma_wait3A_308] : memref<1024x200x128xf32, #tpu.memory_space<hbm>> -> memref<1x200x128xf32, #tpu.memory_space<hbm>>
    %dma_wait3A_310 = tpu.memref_squeeze %dma_wait3A_309 : memref<1x200x128xf32, #tpu.memory_space<hbm>> -> memref<200x128xf32, #tpu.memory_space<hbm>>
    tpu.wait_dma2 semaphore(%arg6 : memref<!tpu.dma_semaphore, #tpu.memory_space<semaphore_mem>>) src(%arg4 : memref<200x128xf32, #tpu.memory_space<vmem>>) dst(%dma_wait3A_310 : memref<200x128xf32, #tpu.memory_space<hbm>>)
    %dma_wait3A_311 = arith.constant 0 : i32
    %dma_wait3A_312 = arith.constant 0 : i32
    %dma_wait3A_313 = tpu.memref_slice %arg3[%add3A_35, %dma_wait3A_311, %dma_wait3A_312] : memref<1024x200x128xf32, #tpu.memory_space<hbm>> -> memref<1x200x128xf32, #tpu.memory_space<hbm>>
    %dma_wait3A_314 = tpu.memref_squeeze %dma_wait3A_313 : memref<1x200x128xf32, #tpu.memory_space<hbm>> -> memref<200x128xf32, #tpu.memory_space<hbm>>
    tpu.wait_dma2 semaphore(%arg6 : memref<!tpu.dma_semaphore, #tpu.memory_space<semaphore_mem>>) src(%arg5 : memref<200x128xf32, #tpu.memory_space<vmem_shared>>) dst(%dma_wait3A_314 : memref<200x128xf32, #tpu.memory_space<hbm>>)
    %dma_wait3A_315 = arith.constant 0 : i32
    %dma_wait3A_316 = arith.constant 0 : i32
    %dma_wait3A_317 = tpu.memref_slice %arg3[%add3A_41, %dma_wait3A_315, %dma_wait3A_316] : memref<1024x200x128xf32, #tpu.memory_space<hbm>> -> memref<1x200x128xf32, #tpu.memory_space<hbm>>
    %dma_wait3A_318 = tpu.memref_squeeze %dma_wait3A_317 : memref<1x200x128xf32, #tpu.memory_space<hbm>> -> memref<200x128xf32, #tpu.memory_space<hbm>>
    %dma_wait3A_319 = arith.constant 0 : i32
    %dma_wait3A_320 = arith.constant 0 : i32
    %dma_wait3A_321 = tpu.memref_slice %arg3[%add3A_41, %dma_wait3A_319, %dma_wait3A_320] : memref<1024x200x128xf32, #tpu.memory_space<hbm>> -> memref<1x200x128xf32, #tpu.memory_space<hbm>>
    %dma_wait3A_322 = tpu.memref_squeeze %dma_wait3A_321 : memref<1x200x128xf32, #tpu.memory_space<hbm>> -> memref<200x128xf32, #tpu.memory_space<hbm>>
    tpu.wait_dma2 semaphore(%arg6 : memref<!tpu.dma_semaphore, #tpu.memory_space<semaphore_mem>>) src(%arg4 : memref<200x128xf32, #tpu.memory_space<vmem>>) dst(%dma_wait3A_322 : memref<200x128xf32, #tpu.memory_space<hbm>>)
    %dma_wait3A_323 = arith.constant 0 : i32
    %dma_wait3A_324 = arith.constant 0 : i32
    %dma_wait3A_325 = tpu.memref_slice %arg3[%add3A_53, %dma_wait3A_323, %dma_wait3A_324] : memref<1024x200x128xf32, #tpu.memory_space<hbm>> -> memref<1x200x128xf32, #tpu.memory_space<hbm>>
    %dma_wait3A_326 = tpu.memref_squeeze %dma_wait3A_325 : memref<1x200x128xf32, #tpu.memory_space<hbm>> -> memref<200x128xf32, #tpu.memory_space<hbm>>
    tpu.wait_dma2 semaphore(%arg6 : memref<!tpu.dma_semaphore, #tpu.memory_space<semaphore_mem>>) src(%arg5 : memref<200x128xf32, #tpu.memory_space<vmem_shared>>) dst(%dma_wait3A_326 : memref<200x128xf32, #tpu.memory_space<hbm>>)
    %dma_wait3A_327 = arith.constant 0 : i32
    %dma_wait3A_328 = arith.constant 0 : i32
    %dma_wait3A_329 = tpu.memref_slice %arg3[%add3A_59, %dma_wait3A_327, %dma_wait3A_328] : memref<1024x200x128xf32, #tpu.memory_space<hbm>> -> memref<1x200x128xf32, #tpu.memory_space<hbm>>
    %dma_wait3A_330 = tpu.memref_squeeze %dma_wait3A_329 : memref<1x200x128xf32, #tpu.memory_space<hbm>> -> memref<200x128xf32, #tpu.memory_space<hbm>>
    %dma_wait3A_331 = arith.constant 0 : i32
    %dma_wait3A_332 = arith.constant 0 : i32
    %dma_wait3A_333 = tpu.memref_slice %arg3[%add3A_59, %dma_wait3A_331, %dma_wait3A_332] : memref<1024x200x128xf32, #tpu.memory_space<hbm>> -> memref<1x200x128xf32, #tpu.memory_space<hbm>>
    %dma_wait3A_334 = tpu.memref_squeeze %dma_wait3A_333 : memref<1x200x128xf32, #tpu.memory_space<hbm>> -> memref<200x128xf32, #tpu.memory_space<hbm>>
    tpu.wait_dma2 semaphore(%arg6 : memref<!tpu.dma_semaphore, #tpu.memory_space<semaphore_mem>>) src(%arg4 : memref<200x128xf32, #tpu.memory_space<vmem>>) dst(%dma_wait3A_334 : memref<200x128xf32, #tpu.memory_space<hbm>>)
    %dma_wait3A_335 = arith.constant 0 : i32
    %dma_wait3A_336 = arith.constant 0 : i32
    %dma_wait3A_337 = tpu.memref_slice %arg3[%add3A_71, %dma_wait3A_335, %dma_wait3A_336] : memref<1024x200x128xf32, #tpu.memory_space<hbm>> -> memref<1x200x128xf32, #tpu.memory_space<hbm>>
    %dma_wait3A_338 = tpu.memref_squeeze %dma_wait3A_337 : memref<1x200x128xf32, #tpu.memory_space<hbm>> -> memref<200x128xf32, #tpu.memory_space<hbm>>
    tpu.wait_dma2 semaphore(%arg6 : memref<!tpu.dma_semaphore, #tpu.memory_space<semaphore_mem>>) src(%arg5 : memref<200x128xf32, #tpu.memory_space<vmem_shared>>) dst(%dma_wait3A_338 : memref<200x128xf32, #tpu.memory_space<hbm>>)
    %dma_wait3A_339 = arith.constant 0 : i32
    %dma_wait3A_340 = arith.constant 0 : i32
    %dma_wait3A_341 = tpu.memref_slice %arg3[%add3A_77, %dma_wait3A_339, %dma_wait3A_340] : memref<1024x200x128xf32, #tpu.memory_space<hbm>> -> memref<1x200x128xf32, #tpu.memory_space<hbm>>
    %dma_wait3A_342 = tpu.memref_squeeze %dma_wait3A_341 : memref<1x200x128xf32, #tpu.memory_space<hbm>> -> memref<200x128xf32, #tpu.memory_space<hbm>>
    %dma_wait3A_343 = arith.constant 0 : i32
    %dma_wait3A_344 = arith.constant 0 : i32
    %dma_wait3A_345 = tpu.memref_slice %arg3[%add3A_77, %dma_wait3A_343, %dma_wait3A_344] : memref<1024x200x128xf32, #tpu.memory_space<hbm>> -> memref<1x200x128xf32, #tpu.memory_space<hbm>>
    %dma_wait3A_346 = tpu.memref_squeeze %dma_wait3A_345 : memref<1x200x128xf32, #tpu.memory_space<hbm>> -> memref<200x128xf32, #tpu.memory_space<hbm>>
    tpu.wait_dma2 semaphore(%arg6 : memref<!tpu.dma_semaphore, #tpu.memory_space<semaphore_mem>>) src(%arg4 : memref<200x128xf32, #tpu.memory_space<vmem>>) dst(%dma_wait3A_346 : memref<200x128xf32, #tpu.memory_space<hbm>>)
    %dma_wait3A_347 = arith.constant 0 : i32
    %dma_wait3A_348 = arith.constant 0 : i32
    %dma_wait3A_349 = tpu.memref_slice %arg3[%add3A_89, %dma_wait3A_347, %dma_wait3A_348] : memref<1024x200x128xf32, #tpu.memory_space<hbm>> -> memref<1x200x128xf32, #tpu.memory_space<hbm>>
    %dma_wait3A_350 = tpu.memref_squeeze %dma_wait3A_349 : memref<1x200x128xf32, #tpu.memory_space<hbm>> -> memref<200x128xf32, #tpu.memory_space<hbm>>
    tpu.wait_dma2 semaphore(%arg6 : memref<!tpu.dma_semaphore, #tpu.memory_space<semaphore_mem>>) src(%arg5 : memref<200x128xf32, #tpu.memory_space<vmem_shared>>) dst(%dma_wait3A_350 : memref<200x128xf32, #tpu.memory_space<hbm>>)
    %dma_wait3A_351 = arith.constant 0 : i32
    %dma_wait3A_352 = arith.constant 0 : i32
    %dma_wait3A_353 = tpu.memref_slice %arg3[%add3A_95, %dma_wait3A_351, %dma_wait3A_352] : memref<1024x200x128xf32, #tpu.memory_space<hbm>> -> memref<1x200x128xf32, #tpu.memory_space<hbm>>
    %dma_wait3A_354 = tpu.memref_squeeze %dma_wait3A_353 : memref<1x200x128xf32, #tpu.memory_space<hbm>> -> memref<200x128xf32, #tpu.memory_space<hbm>>
    %dma_wait3A_355 = arith.constant 0 : i32
    %dma_wait3A_356 = arith.constant 0 : i32
    %dma_wait3A_357 = tpu.memref_slice %arg3[%add3A_95, %dma_wait3A_355, %dma_wait3A_356] : memref<1024x200x128xf32, #tpu.memory_space<hbm>> -> memref<1x200x128xf32, #tpu.memory_space<hbm>>
    %dma_wait3A_358 = tpu.memref_squeeze %dma_wait3A_357 : memref<1x200x128xf32, #tpu.memory_space<hbm>> -> memref<200x128xf32, #tpu.memory_space<hbm>>
    tpu.wait_dma2 semaphore(%arg6 : memref<!tpu.dma_semaphore, #tpu.memory_space<semaphore_mem>>) src(%arg4 : memref<200x128xf32, #tpu.memory_space<vmem>>) dst(%dma_wait3A_358 : memref<200x128xf32, #tpu.memory_space<hbm>>)
    %dma_wait3A_359 = arith.constant 0 : i32
    %dma_wait3A_360 = arith.constant 0 : i32
    %dma_wait3A_361 = tpu.memref_slice %arg3[%add3A_107, %dma_wait3A_359, %dma_wait3A_360] : memref<1024x200x128xf32, #tpu.memory_space<hbm>> -> memref<1x200x128xf32, #tpu.memory_space<hbm>>
    %dma_wait3A_362 = tpu.memref_squeeze %dma_wait3A_361 : memref<1x200x128xf32, #tpu.memory_space<hbm>> -> memref<200x128xf32, #tpu.memory_space<hbm>>
    tpu.wait_dma2 semaphore(%arg6 : memref<!tpu.dma_semaphore, #tpu.memory_space<semaphore_mem>>) src(%arg5 : memref<200x128xf32, #tpu.memory_space<vmem_shared>>) dst(%dma_wait3A_362 : memref<200x128xf32, #tpu.memory_space<hbm>>)
    %dma_wait3A_363 = arith.constant 0 : i32
    %dma_wait3A_364 = arith.constant 0 : i32
    %dma_wait3A_365 = tpu.memref_slice %arg3[%add3A_113, %dma_wait3A_363, %dma_wait3A_364] : memref<1024x200x128xf32, #tpu.memory_space<hbm>> -> memref<1x200x128xf32, #tpu.memory_space<hbm>>
    %dma_wait3A_366 = tpu.memref_squeeze %dma_wait3A_365 : memref<1x200x128xf32, #tpu.memory_space<hbm>> -> memref<200x128xf32, #tpu.memory_space<hbm>>
    %dma_wait3A_367 = arith.constant 0 : i32
    %dma_wait3A_368 = arith.constant 0 : i32
    %dma_wait3A_369 = tpu.memref_slice %arg3[%add3A_113, %dma_wait3A_367, %dma_wait3A_368] : memref<1024x200x128xf32, #tpu.memory_space<hbm>> -> memref<1x200x128xf32, #tpu.memory_space<hbm>>
    %dma_wait3A_370 = tpu.memref_squeeze %dma_wait3A_369 : memref<1x200x128xf32, #tpu.memory_space<hbm>> -> memref<200x128xf32, #tpu.memory_space<hbm>>
    tpu.wait_dma2 semaphore(%arg6 : memref<!tpu.dma_semaphore, #tpu.memory_space<semaphore_mem>>) src(%arg4 : memref<200x128xf32, #tpu.memory_space<vmem>>) dst(%dma_wait3A_370 : memref<200x128xf32, #tpu.memory_space<hbm>>)
    %dma_wait3A_371 = arith.constant 0 : i32
    %dma_wait3A_372 = arith.constant 0 : i32
    %dma_wait3A_373 = tpu.memref_slice %arg3[%add3A_125, %dma_wait3A_371, %dma_wait3A_372] : memref<1024x200x128xf32, #tpu.memory_space<hbm>> -> memref<1x200x128xf32, #tpu.memory_space<hbm>>
    %dma_wait3A_374 = tpu.memref_squeeze %dma_wait3A_373 : memref<1x200x128xf32, #tpu.memory_space<hbm>> -> memref<200x128xf32, #tpu.memory_space<hbm>>
    tpu.wait_dma2 semaphore(%arg6 : memref<!tpu.dma_semaphore, #tpu.memory_space<semaphore_mem>>) src(%arg5 : memref<200x128xf32, #tpu.memory_space<vmem_shared>>) dst(%dma_wait3A_374 : memref<200x128xf32, #tpu.memory_space<hbm>>)
    %dma_wait3A_375 = arith.constant 0 : i32
    %dma_wait3A_376 = arith.constant 0 : i32
    %dma_wait3A_377 = tpu.memref_slice %arg3[%add3A_131, %dma_wait3A_375, %dma_wait3A_376] : memref<1024x200x128xf32, #tpu.memory_space<hbm>> -> memref<1x200x128xf32, #tpu.memory_space<hbm>>
    %dma_wait3A_378 = tpu.memref_squeeze %dma_wait3A_377 : memref<1x200x128xf32, #tpu.memory_space<hbm>> -> memref<200x128xf32, #tpu.memory_space<hbm>>
    %dma_wait3A_379 = arith.constant 0 : i32
    %dma_wait3A_380 = arith.constant 0 : i32
    %dma_wait3A_381 = tpu.memref_slice %arg3[%add3A_131, %dma_wait3A_379, %dma_wait3A_380] : memref<1024x200x128xf32, #tpu.memory_space<hbm>> -> memref<1x200x128xf32, #tpu.memory_space<hbm>>
    %dma_wait3A_382 = tpu.memref_squeeze %dma_wait3A_381 : memref<1x200x128xf32, #tpu.memory_space<hbm>> -> memref<200x128xf32, #tpu.memory_space<hbm>>
    tpu.wait_dma2 semaphore(%arg6 : memref<!tpu.dma_semaphore, #tpu.memory_space<semaphore_mem>>) src(%arg4 : memref<200x128xf32, #tpu.memory_space<vmem>>) dst(%dma_wait3A_382 : memref<200x128xf32, #tpu.memory_space<hbm>>)
    %dma_wait3A_383 = arith.constant 0 : i32
    %dma_wait3A_384 = arith.constant 0 : i32
    %dma_wait3A_385 = tpu.memref_slice %arg3[%add3A_143, %dma_wait3A_383, %dma_wait3A_384] : memref<1024x200x128xf32, #tpu.memory_space<hbm>> -> memref<1x200x128xf32, #tpu.memory_space<hbm>>
    %dma_wait3A_386 = tpu.memref_squeeze %dma_wait3A_385 : memref<1x200x128xf32, #tpu.memory_space<hbm>> -> memref<200x128xf32, #tpu.memory_space<hbm>>
    tpu.wait_dma2 semaphore(%arg6 : memref<!tpu.dma_semaphore, #tpu.memory_space<semaphore_mem>>) src(%arg5 : memref<200x128xf32, #tpu.memory_space<vmem_shared>>) dst(%dma_wait3A_386 : memref<200x128xf32, #tpu.memory_space<hbm>>)
    %dma_wait3A_387 = arith.constant 0 : i32
    %dma_wait3A_388 = arith.constant 0 : i32
    %dma_wait3A_389 = tpu.memref_slice %arg3[%add3A_149, %dma_wait3A_387, %dma_wait3A_388] : memref<1024x200x128xf32, #tpu.memory_space<hbm>> -> memref<1x200x128xf32, #tpu.memory_space<hbm>>
    %dma_wait3A_390 = tpu.memref_squeeze %dma_wait3A_389 : memref<1x200x128xf32, #tpu.memory_space<hbm>> -> memref<200x128xf32, #tpu.memory_space<hbm>>
    %dma_wait3A_391 = arith.constant 0 : i32
    %dma_wait3A_392 = arith.constant 0 : i32
    %dma_wait3A_393 = tpu.memref_slice %arg3[%add3A_149, %dma_wait3A_391, %dma_wait3A_392] : memref<1024x200x128xf32, #tpu.memory_space<hbm>> -> memref<1x200x128xf32, #tpu.memory_space<hbm>>
    %dma_wait3A_394 = tpu.memref_squeeze %dma_wait3A_393 : memref<1x200x128xf32, #tpu.memory_space<hbm>> -> memref<200x128xf32, #tpu.memory_space<hbm>>
    tpu.wait_dma2 semaphore(%arg6 : memref<!tpu.dma_semaphore, #tpu.memory_space<semaphore_mem>>) src(%arg4 : memref<200x128xf32, #tpu.memory_space<vmem>>) dst(%dma_wait3A_394 : memref<200x128xf32, #tpu.memory_space<hbm>>)
    %dma_wait3A_395 = arith.constant 0 : i32
    %dma_wait3A_396 = arith.constant 0 : i32
    %dma_wait3A_397 = tpu.memref_slice %arg3[%add3A_161, %dma_wait3A_395, %dma_wait3A_396] : memref<1024x200x128xf32, #tpu.memory_space<hbm>> -> memref<1x200x128xf32, #tpu.memory_space<hbm>>
    %dma_wait3A_398 = tpu.memref_squeeze %dma_wait3A_397 : memref<1x200x128xf32, #tpu.memory_space<hbm>> -> memref<200x128xf32, #tpu.memory_space<hbm>>
    tpu.wait_dma2 semaphore(%arg6 : memref<!tpu.dma_semaphore, #tpu.memory_space<semaphore_mem>>) src(%arg5 : memref<200x128xf32, #tpu.memory_space<vmem_shared>>) dst(%dma_wait3A_398 : memref<200x128xf32, #tpu.memory_space<hbm>>)
    %dma_wait3A_399 = arith.constant 0 : i32
    %dma_wait3A_400 = arith.constant 0 : i32
    %dma_wait3A_401 = tpu.memref_slice %arg3[%add3A_167, %dma_wait3A_399, %dma_wait3A_400] : memref<1024x200x128xf32, #tpu.memory_space<hbm>> -> memref<1x200x128xf32, #tpu.memory_space<hbm>>
    %dma_wait3A_402 = tpu.memref_squeeze %dma_wait3A_401 : memref<1x200x128xf32, #tpu.memory_space<hbm>> -> memref<200x128xf32, #tpu.memory_space<hbm>>
    %dma_wait3A_403 = arith.constant 0 : i32
    %dma_wait3A_404 = arith.constant 0 : i32
    %dma_wait3A_405 = tpu.memref_slice %arg3[%add3A_167, %dma_wait3A_403, %dma_wait3A_404] : memref<1024x200x128xf32, #tpu.memory_space<hbm>> -> memref<1x200x128xf32, #tpu.memory_space<hbm>>
    %dma_wait3A_406 = tpu.memref_squeeze %dma_wait3A_405 : memref<1x200x128xf32, #tpu.memory_space<hbm>> -> memref<200x128xf32, #tpu.memory_space<hbm>>
    tpu.wait_dma2 semaphore(%arg6 : memref<!tpu.dma_semaphore, #tpu.memory_space<semaphore_mem>>) src(%arg4 : memref<200x128xf32, #tpu.memory_space<vmem>>) dst(%dma_wait3A_406 : memref<200x128xf32, #tpu.memory_space<hbm>>)
    %dma_wait3A_407 = arith.constant 0 : i32
    %dma_wait3A_408 = arith.constant 0 : i32
    %dma_wait3A_409 = tpu.memref_slice %arg3[%add3A_179, %dma_wait3A_407, %dma_wait3A_408] : memref<1024x200x128xf32, #tpu.memory_space<hbm>> -> memref<1x200x128xf32, #tpu.memory_space<hbm>>
    %dma_wait3A_410 = tpu.memref_squeeze %dma_wait3A_409 : memref<1x200x128xf32, #tpu.memory_space<hbm>> -> memref<200x128xf32, #tpu.memory_space<hbm>>
    tpu.wait_dma2 semaphore(%arg6 : memref<!tpu.dma_semaphore, #tpu.memory_space<semaphore_mem>>) src(%arg5 : memref<200x128xf32, #tpu.memory_space<vmem_shared>>) dst(%dma_wait3A_410 : memref<200x128xf32, #tpu.memory_space<hbm>>)
    %dma_wait3A_411 = arith.constant 0 : i32
    %dma_wait3A_412 = arith.constant 0 : i32
    %dma_wait3A_413 = tpu.memref_slice %arg3[%add3A_185, %dma_wait3A_411, %dma_wait3A_412] : memref<1024x200x128xf32, #tpu.memory_space<hbm>> -> memref<1x200x128xf32, #tpu.memory_space<hbm>>
    %dma_wait3A_414 = tpu.memref_squeeze %dma_wait3A_413 : memref<1x200x128xf32, #tpu.memory_space<hbm>> -> memref<200x128xf32, #tpu.memory_space<hbm>>
    %dma_wait3A_415 = arith.constant 0 : i32
    %dma_wait3A_416 = arith.constant 0 : i32
    %dma_wait3A_417 = tpu.memref_slice %arg3[%add3A_185, %dma_wait3A_415, %dma_wait3A_416] : memref<1024x200x128xf32, #tpu.memory_space<hbm>> -> memref<1x200x128xf32, #tpu.memory_space<hbm>>
    %dma_wait3A_418 = tpu.memref_squeeze %dma_wait3A_417 : memref<1x200x128xf32, #tpu.memory_space<hbm>> -> memref<200x128xf32, #tpu.memory_space<hbm>>
    tpu.wait_dma2 semaphore(%arg6 : memref<!tpu.dma_semaphore, #tpu.memory_space<semaphore_mem>>) src(%arg4 : memref<200x128xf32, #tpu.memory_space<vmem>>) dst(%dma_wait3A_418 : memref<200x128xf32, #tpu.memory_space<hbm>>)
    %dma_wait3A_419 = arith.constant 0 : i32
    %dma_wait3A_420 = arith.constant 0 : i32
    %dma_wait3A_421 = tpu.memref_slice %arg3[%add3A_197, %dma_wait3A_419, %dma_wait3A_420] : memref<1024x200x128xf32, #tpu.memory_space<hbm>> -> memref<1x200x128xf32, #tpu.memory_space<hbm>>
    %dma_wait3A_422 = tpu.memref_squeeze %dma_wait3A_421 : memref<1x200x128xf32, #tpu.memory_space<hbm>> -> memref<200x128xf32, #tpu.memory_space<hbm>>
    tpu.wait_dma2 semaphore(%arg6 : memref<!tpu.dma_semaphore, #tpu.memory_space<semaphore_mem>>) src(%arg5 : memref<200x128xf32, #tpu.memory_space<vmem_shared>>) dst(%dma_wait3A_422 : memref<200x128xf32, #tpu.memory_space<hbm>>)
    %dma_wait3A_423 = arith.constant 0 : i32
    %dma_wait3A_424 = arith.constant 0 : i32
    %dma_wait3A_425 = tpu.memref_slice %arg3[%add3A_203, %dma_wait3A_423, %dma_wait3A_424] : memref<1024x200x128xf32, #tpu.memory_space<hbm>> -> memref<1x200x128xf32, #tpu.memory_space<hbm>>
    %dma_wait3A_426 = tpu.memref_squeeze %dma_wait3A_425 : memref<1x200x128xf32, #tpu.memory_space<hbm>> -> memref<200x128xf32, #tpu.memory_space<hbm>>
    %dma_wait3A_427 = arith.constant 0 : i32
    %dma_wait3A_428 = arith.constant 0 : i32
    %dma_wait3A_429 = tpu.memref_slice %arg3[%add3A_203, %dma_wait3A_427, %dma_wait3A_428] : memref<1024x200x128xf32, #tpu.memory_space<hbm>> -> memref<1x200x128xf32, #tpu.memory_space<hbm>>
    %dma_wait3A_430 = tpu.memref_squeeze %dma_wait3A_429 : memref<1x200x128xf32, #tpu.memory_space<hbm>> -> memref<200x128xf32, #tpu.memory_space<hbm>>
    tpu.wait_dma2 semaphore(%arg6 : memref<!tpu.dma_semaphore, #tpu.memory_space<semaphore_mem>>) src(%arg4 : memref<200x128xf32, #tpu.memory_space<vmem>>) dst(%dma_wait3A_430 : memref<200x128xf32, #tpu.memory_space<hbm>>)
    %dma_wait3A_431 = arith.constant 0 : i32
    %dma_wait3A_432 = arith.constant 0 : i32
    %dma_wait3A_433 = tpu.memref_slice %arg3[%add3A_215, %dma_wait3A_431, %dma_wait3A_432] : memref<1024x200x128xf32, #tpu.memory_space<hbm>> -> memref<1x200x128xf32, #tpu.memory_space<hbm>>
    %dma_wait3A_434 = tpu.memref_squeeze %dma_wait3A_433 : memref<1x200x128xf32, #tpu.memory_space<hbm>> -> memref<200x128xf32, #tpu.memory_space<hbm>>
    tpu.wait_dma2 semaphore(%arg6 : memref<!tpu.dma_semaphore, #tpu.memory_space<semaphore_mem>>) src(%arg5 : memref<200x128xf32, #tpu.memory_space<vmem_shared>>) dst(%dma_wait3A_434 : memref<200x128xf32, #tpu.memory_space<hbm>>)
    %dma_wait3A_435 = arith.constant 0 : i32
    %dma_wait3A_436 = arith.constant 0 : i32
    %dma_wait3A_437 = tpu.memref_slice %arg3[%add3A_221, %dma_wait3A_435, %dma_wait3A_436] : memref<1024x200x128xf32, #tpu.memory_space<hbm>> -> memref<1x200x128xf32, #tpu.memory_space<hbm>>
    %dma_wait3A_438 = tpu.memref_squeeze %dma_wait3A_437 : memref<1x200x128xf32, #tpu.memory_space<hbm>> -> memref<200x128xf32, #tpu.memory_space<hbm>>
    %dma_wait3A_439 = arith.constant 0 : i32
    %dma_wait3A_440 = arith.constant 0 : i32
    %dma_wait3A_441 = tpu.memref_slice %arg3[%add3A_221, %dma_wait3A_439, %dma_wait3A_440] : memref<1024x200x128xf32, #tpu.memory_space<hbm>> -> memref<1x200x128xf32, #tpu.memory_space<hbm>>
    %dma_wait3A_442 = tpu.memref_squeeze %dma_wait3A_441 : memref<1x200x128xf32, #tpu.memory_space<hbm>> -> memref<200x128xf32, #tpu.memory_space<hbm>>
    tpu.wait_dma2 semaphore(%arg6 : memref<!tpu.dma_semaphore, #tpu.memory_space<semaphore_mem>>) src(%arg4 : memref<200x128xf32, #tpu.memory_space<vmem>>) dst(%dma_wait3A_442 : memref<200x128xf32, #tpu.memory_space<hbm>>)
    %dma_wait3A_443 = arith.constant 0 : i32
    %dma_wait3A_444 = arith.constant 0 : i32
    %dma_wait3A_445 = tpu.memref_slice %arg3[%add3A_233, %dma_wait3A_443, %dma_wait3A_444] : memref<1024x200x128xf32, #tpu.memory_space<hbm>> -> memref<1x200x128xf32, #tpu.memory_space<hbm>>
    %dma_wait3A_446 = tpu.memref_squeeze %dma_wait3A_445 : memref<1x200x128xf32, #tpu.memory_space<hbm>> -> memref<200x128xf32, #tpu.memory_space<hbm>>
    tpu.wait_dma2 semaphore(%arg6 : memref<!tpu.dma_semaphore, #tpu.memory_space<semaphore_mem>>) src(%arg5 : memref<200x128xf32, #tpu.memory_space<vmem_shared>>) dst(%dma_wait3A_446 : memref<200x128xf32, #tpu.memory_space<hbm>>)
    %dma_wait3A_447 = arith.constant 0 : i32
    %dma_wait3A_448 = arith.constant 0 : i32
    %dma_wait3A_449 = tpu.memref_slice %arg3[%add3A_239, %dma_wait3A_447, %dma_wait3A_448] : memref<1024x200x128xf32, #tpu.memory_space<hbm>> -> memref<1x200x128xf32, #tpu.memory_space<hbm>>
    %dma_wait3A_450 = tpu.memref_squeeze %dma_wait3A_449 : memref<1x200x128xf32, #tpu.memory_space<hbm>> -> memref<200x128xf32, #tpu.memory_space<hbm>>
    %dma_wait3A_451 = arith.constant 0 : i32
    %dma_wait3A_452 = arith.constant 0 : i32
    %dma_wait3A_453 = tpu.memref_slice %arg3[%add3A_239, %dma_wait3A_451, %dma_wait3A_452] : memref<1024x200x128xf32, #tpu.memory_space<hbm>> -> memref<1x200x128xf32, #tpu.memory_space<hbm>>
    %dma_wait3A_454 = tpu.memref_squeeze %dma_wait3A_453 : memref<1x200x128xf32, #tpu.memory_space<hbm>> -> memref<200x128xf32, #tpu.memory_space<hbm>>
    tpu.wait_dma2 semaphore(%arg6 : memref<!tpu.dma_semaphore, #tpu.memory_space<semaphore_mem>>) src(%arg4 : memref<200x128xf32, #tpu.memory_space<vmem>>) dst(%dma_wait3A_454 : memref<200x128xf32, #tpu.memory_space<hbm>>)
    %dma_wait3A_455 = arith.constant 0 : i32
    %dma_wait3A_456 = arith.constant 0 : i32
    %dma_wait3A_457 = tpu.memref_slice %arg3[%add3A_251, %dma_wait3A_455, %dma_wait3A_456] : memref<1024x200x128xf32, #tpu.memory_space<hbm>> -> memref<1x200x128xf32, #tpu.memory_space<hbm>>
    %dma_wait3A_458 = tpu.memref_squeeze %dma_wait3A_457 : memref<1x200x128xf32, #tpu.memory_space<hbm>> -> memref<200x128xf32, #tpu.memory_space<hbm>>
    tpu.wait_dma2 semaphore(%arg6 : memref<!tpu.dma_semaphore, #tpu.memory_space<semaphore_mem>>) src(%arg5 : memref<200x128xf32, #tpu.memory_space<vmem_shared>>) dst(%dma_wait3A_458 : memref<200x128xf32, #tpu.memory_space<hbm>>)
    %dma_wait3A_459 = arith.constant 0 : i32
    %dma_wait3A_460 = arith.constant 0 : i32
    %dma_wait3A_461 = tpu.memref_slice %arg3[%add3A_257, %dma_wait3A_459, %dma_wait3A_460] : memref<1024x200x128xf32, #tpu.memory_space<hbm>> -> memref<1x200x128xf32, #tpu.memory_space<hbm>>
    %dma_wait3A_462 = tpu.memref_squeeze %dma_wait3A_461 : memref<1x200x128xf32, #tpu.memory_space<hbm>> -> memref<200x128xf32, #tpu.memory_space<hbm>>
    %dma_wait3A_463 = arith.constant 0 : i32
    %dma_wait3A_464 = arith.constant 0 : i32
    %dma_wait3A_465 = tpu.memref_slice %arg3[%add3A_257, %dma_wait3A_463, %dma_wait3A_464] : memref<1024x200x128xf32, #tpu.memory_space<hbm>> -> memref<1x200x128xf32, #tpu.memory_space<hbm>>
    %dma_wait3A_466 = tpu.memref_squeeze %dma_wait3A_465 : memref<1x200x128xf32, #tpu.memory_space<hbm>> -> memref<200x128xf32, #tpu.memory_space<hbm>>
    tpu.wait_dma2 semaphore(%arg6 : memref<!tpu.dma_semaphore, #tpu.memory_space<semaphore_mem>>) src(%arg4 : memref<200x128xf32, #tpu.memory_space<vmem>>) dst(%dma_wait3A_466 : memref<200x128xf32, #tpu.memory_space<hbm>>)
    %dma_wait3A_467 = arith.constant 0 : i32
    %dma_wait3A_468 = arith.constant 0 : i32
    %dma_wait3A_469 = tpu.memref_slice %arg3[%add3A_269, %dma_wait3A_467, %dma_wait3A_468] : memref<1024x200x128xf32, #tpu.memory_space<hbm>> -> memref<1x200x128xf32, #tpu.memory_space<hbm>>
    %dma_wait3A_470 = tpu.memref_squeeze %dma_wait3A_469 : memref<1x200x128xf32, #tpu.memory_space<hbm>> -> memref<200x128xf32, #tpu.memory_space<hbm>>
    tpu.wait_dma2 semaphore(%arg6 : memref<!tpu.dma_semaphore, #tpu.memory_space<semaphore_mem>>) src(%arg5 : memref<200x128xf32, #tpu.memory_space<vmem_shared>>) dst(%dma_wait3A_470 : memref<200x128xf32, #tpu.memory_space<hbm>>)
    %dma_wait3A_471 = arith.constant 0 : i32
    %dma_wait3A_472 = arith.constant 0 : i32
    %dma_wait3A_473 = tpu.memref_slice %arg3[%add3A_275, %dma_wait3A_471, %dma_wait3A_472] : memref<1024x200x128xf32, #tpu.memory_space<hbm>> -> memref<1x200x128xf32, #tpu.memory_space<hbm>>
    %dma_wait3A_474 = tpu.memref_squeeze %dma_wait3A_473 : memref<1x200x128xf32, #tpu.memory_space<hbm>> -> memref<200x128xf32, #tpu.memory_space<hbm>>
    %dma_wait3A_475 = arith.constant 0 : i32
    %dma_wait3A_476 = arith.constant 0 : i32
    %dma_wait3A_477 = tpu.memref_slice %arg3[%add3A_275, %dma_wait3A_475, %dma_wait3A_476] : memref<1024x200x128xf32, #tpu.memory_space<hbm>> -> memref<1x200x128xf32, #tpu.memory_space<hbm>>
    %dma_wait3A_478 = tpu.memref_squeeze %dma_wait3A_477 : memref<1x200x128xf32, #tpu.memory_space<hbm>> -> memref<200x128xf32, #tpu.memory_space<hbm>>
    tpu.wait_dma2 semaphore(%arg6 : memref<!tpu.dma_semaphore, #tpu.memory_space<semaphore_mem>>) src(%arg4 : memref<200x128xf32, #tpu.memory_space<vmem>>) dst(%dma_wait3A_478 : memref<200x128xf32, #tpu.memory_space<hbm>>)
    %dma_wait3A_479 = arith.constant 0 : i32
    %dma_wait3A_480 = arith.constant 0 : i32
    %dma_wait3A_481 = tpu.memref_slice %arg3[%add3A_287, %dma_wait3A_479, %dma_wait3A_480] : memref<1024x200x128xf32, #tpu.memory_space<hbm>> -> memref<1x200x128xf32, #tpu.memory_space<hbm>>
    %dma_wait3A_482 = tpu.memref_squeeze %dma_wait3A_481 : memref<1x200x128xf32, #tpu.memory_space<hbm>> -> memref<200x128xf32, #tpu.memory_space<hbm>>
    tpu.wait_dma2 semaphore(%arg6 : memref<!tpu.dma_semaphore, #tpu.memory_space<semaphore_mem>>) src(%arg5 : memref<200x128xf32, #tpu.memory_space<vmem_shared>>) dst(%dma_wait3A_482 : memref<200x128xf32, #tpu.memory_space<hbm>>)
    return
  }
}

</mosaic_0001>

<sc_bundles>
// kernel: kernel.3.cloned.1.call-start
scs
__scs_entry_jumppad:
0x0: {  	(pc) =	sbr.rel $0x88, $3  }
0x1: {  	(tag) =	ssettag $0x0;
	lr =	simm.s32 $0x1  }
0x2: {  	[smem:$0x3FA0] =	sst lr;
	_ =	strace $0xD0000000  }
0x3: {  	_ = 	snop  }
0x4: {  	_ = 	snop  }
0x5: {  	_ = 	snop  }
0x6: {  	_ = 	snop  }
0x7: {  	_ = 	snop  }
__scs_overlays_trampoline_lowered:
0x8: {  	[smem:$0x3FAF] =	sst s0  }
0x9: {  	[smem:$0x3FB0] =	sst s1  }
0xa: {  	[smem:$0x3FB1] =	sst s2  }
0xb: {  	[smem:$0x3FB2] =	sst s3  }
0xc: {  	[smem:$0x3FB3] =	sst s4  }
0xd: {  	[smem:$0x3FB4] =	sst s5  }
0xe: {  	[smem:$0x3FB5] =	sst s6  }
0xf: {  	[smem:$0x3FB6] =	sst s7  }
0x10: {  	[smem:$0x3FB7] =	sst s8  }
0x11: {  	[smem:$0x3FB8] =	sst s9;
	s0 =	simm.s32 @!p0 $0x0  }
0x12: {  	s1 =	sld [smem:$0x3F9E];
	s0 =	simm.s32 @p0 $0x1  }
0x13: {  	[smem:$0x3FB9] =	sst s0;
	s0 =	simm.s32 @!p1 $0x0  }
0x14: {  	s2 =	sld [smem:$0x3F9D];
	s0 =	simm.s32 @p1 $0x1  }
0x15: {  	[smem:$0x3FBA] =	sst s0;
	s0 =	simm.s32 @!p2 $0x0  }
0x16: {  	s3 =	sld [smem:$0x3FDB];
	s0 =	simm.s32 @p2 $0x1  }
0x17: {  	s4 =	simm.s32 $0x1BF5;
	[smem:$0x3FBC] =	sst s0  }
0x18: {  	s0 =	sld [smem:$0x3F9F];
	_ =	swait.ge [sflag:s4], $0x0  }
0x19: {  	s7 =	sld [smem:$0x3FA0]  }
0x1a: {  	s8 =	sadd.s32 $0xFFFFE003, lr  }
0x1b: {  	s9 =	sadd.s32 $0xFFFFFEF7, lr;
	s5 =	simm.s32 $0xFFFFFFFF;
	p2 =	slt.u32 s8, $0xFFFFF086  }
0x1c: {  	p1 =	slt.u32 s9, $0xF7A;
	s5 =	simm.s32 @!p2 $0x0  }
0x1d: {  	s5 =	simm.s32 @p1 $0x1;
	p0 =	seq.s32 s7, s2  }
0x1e: {  	s7 =	smul.u32 @!p0 $0xF7A, s2;
	p2 =	seq.s32 @!p0 s5, $0x0  }
0x1f: {  	s9 =	smul.u32 $0xF7A, s1;
	s8 =	simm.s32 @!p0 $0x1BF5;
	p2 =	por !p2, p0  }
0x20: {  	[sflag:s8] =	ssyncset.s32 @!p0 $0xFFFFF086;
	s6 =	sadd.s32 @!p0 s3, s7;
	s7 =	simm.s32 @!p0 $0x108  }
0x21: {  	s3 =	sadd.s32 s3, s9;
	s6 =	sadd.s32 @!p0 $0x88, s6;
	s7 =	simm.s32 @p2 $0x1082  }
0x22: {  	[simem:s7], [sflag:s8] =	dma.local @!p0 [hbm:s6], $0xF7A  }
0x23: {  	s9 =	sor.u32 $0xD0000000, s2;
	s6 =	simm.s32 $0x108;
	_ =	swait.ge @!p0 [sflag:s8], $0x0  }
0x24: {  	s3 =	sadd.s32 $0x88, s3;
	s6 =	simm.s32 @!p1 $0x1082;
	[sflag:s4] =	ssyncset.s32 $0xFFFFF086  }
0x25: {  	[simem:s6], [sflag:s4] =	dma.local [hbm:s3], $0xF7A  }
0x26: {  	[smem:$0x3FA0] =	sst s1;
	(tag) =	ssettag s2;
	_ =	strace s9  }
0x27: {  	s1 =	sld [smem:$0x3FB0]  }
0x28: {  	s2 =	sld [smem:$0x3FB1]  }
0x29: {  	s4 =	sld [smem:$0x3FB3]  }
0x2a: {  	p0 =	seq.s32 s5, $0x0;
	s5 =	sld [smem:$0x3FB4]  }
0x2b: {  	s6 =	sld [smem:$0x3FB5]  }
0x2c: {  	s7 =	sld [smem:$0x3FB6]  }
0x2d: {  	s3 =	simm.s32 $0x108;
	s8 =	sld [smem:$0x3FB7]  }
0x2e: {  	s3 =	simm.s32 @!p0 $0x1082;
	s9 =	sld [smem:$0x3FB8]  }
0x2f: {  	lr =	sadd.s32 s0, s3;
	s0 =	sld [smem:$0x3FAF]  }
0x30: {  	s3 =	sld [smem:$0x3FB2]  }
0x31: {  	[smem:$0x3FBB] =	sst s10  }
0x32: {  	s10 =	sld [smem:$0x3FB9];
	_ =	sdelay $0x3  }
0x33: {  	p0 =	seq.s32 s10, $0x1;
	s10 =	sld [smem:$0x3FBB];
	_ =	sdelay $0x3  }
0x34: {  	[smem:$0x3FBB] =	sst s10  }
0x35: {  	s10 =	sld [smem:$0x3FBA];
	_ =	sdelay $0x3  }
0x36: {  	p1 =	seq.s32 s10, $0x1;
	s10 =	sld [smem:$0x3FBB];
	_ =	sdelay $0x3  }
0x37: {  	[smem:$0x3FBB] =	sst s10  }
0x38: {  	s10 =	sld [smem:$0x3FBC]  }
0x39: {  	_ = 	snop;
	(pc) =	sbr.ind lr, $3  }
0x3a: {  	_ = 	snop  }
0x3b: {  	_ = 	snop  }
0x3c: {  	p2 =	seq.s32 s10, $0x1;
	s10 =	sld [smem:$0x3FBB]  }
0x3d: {  	_ =	shalt  }
0x3e: {  	_ =	shalt  }
0x3f: {  	_ =	shalt  }
0x40: {  	_ =	shalt  }
0x41: {  	_ =	shalt  }
0x42: {  	_ =	shalt  }
0x43: {  	_ =	shalt  }
0x44: {  	_ =	shalt  }
0x45: {  	_ =	shalt  }
0x46: {  	_ =	shalt  }
0x47: {  	_ =	shalt  }
0x48: {  	_ =	shalt  }
0x49: {  	_ =	shalt  }
0x4a: {  	_ =	shalt  }
0x4b: {  	_ =	shalt  }
0x4c: {  	_ =	shalt  }
0x4d: {  	_ =	shalt  }
0x4e: {  	_ =	shalt  }
0x4f: {  	_ =	shalt  }
0x50: {  	_ =	shalt  }
0x51: {  	_ =	shalt  }
0x52: {  	_ =	shalt  }
0x53: {  	_ =	shalt  }
0x54: {  	_ =	shalt  }
0x55: {  	_ =	shalt  }
0x56: {  	_ =	shalt  }
0x57: {  	_ =	shalt  }
0x58: {  	_ =	shalt  }
0x59: {  	_ =	shalt  }
0x5a: {  	_ =	shalt  }
0x5b: {  	_ =	shalt  }
0x5c: {  	_ =	shalt  }
0x5d: {  	_ =	shalt  }
0x5e: {  	_ =	shalt  }
0x5f: {  	_ =	shalt  }
0x60: {  	_ =	shalt  }
0x61: {  	_ =	shalt  }
0x62: {  	_ =	shalt  }
0x63: {  	_ =	shalt  }
0x64: {  	_ =	shalt  }
0x65: {  	_ =	shalt  }
0x66: {  	_ =	shalt  }
0x67: {  	_ =	shalt  }
0x68: {  	_ =	shalt  }
0x69: {  	_ =	shalt  }
0x6a: {  	_ =	shalt  }
0x6b: {  	_ =	shalt  }
0x6c: {  	_ =	shalt  }
0x6d: {  	_ =	shalt  }
0x6e: {  	_ =	shalt  }
0x6f: {  	_ =	shalt  }
0x70: {  	_ =	shalt  }
0x71: {  	_ =	shalt  }
0x72: {  	_ =	shalt  }
0x73: {  	_ =	shalt  }
0x74: {  	_ =	shalt  }
0x75: {  	_ =	shalt  }
0x76: {  	_ =	shalt  }
0x77: {  	_ =	shalt  }
0x78: {  	_ =	shalt  }
0x79: {  	_ =	shalt  }
0x7a: {  	_ =	shalt  }
0x7b: {  	_ =	shalt  }
0x7c: {  	_ =	shalt  }
0x7d: {  	_ =	shalt  }
0x7e: {  	_ =	shalt  }
0x7f: {  	_ =	shalt  }
0x80: {  	_ =	shalt  }
0x81: {  	_ =	shalt  }
0x82: {  	_ =	shalt  }
0x83: {  	_ =	shalt  }
0x84: {  	_ =	shalt  }
0x85: {  	_ =	shalt  }
0x86: {  	_ =	shalt  }
0x87: {  	_ =	shalt  }
.Lfunc_end0:
.L_simem_size_0:
called_computation_lowered:
.L_overlay_start_0:
0x88: {  	s2 =	sld [smem:$0x3FD9]  }
0x89: {  	s3 =	sld [smem:$0x3FFE];
	_ =	sdelay $0x1  }
0x8a: {  	s1 =	srdreg.scid  }
0x8b: {  	s0 =	sand.u32 $0x1, s1  }
0x8c: {  	s18 =	sshll.u32 s0, $0xA;
	s2 =	sadd.s32 s3, s2  }
0x8d: {  	s2 =	sadd.s32 s2, s18  }
0x8e: {  	[smem:$0x3FC7] =	sst s2  }
0x8f: {  	_ = 	snop  }
0x90: {  	s2 =	sld [smem:$0x3FC9]  }
0x91: {  	s19 =	sld [smem:$0x3FD0];
	(tm) =	ssettm $0x1  }
0x92: {  	s4 =	sld [smem:$0x3FFB];
	_ =	sdelay $0x3  }
0x93: {  	_ =	strace s4  }
0x94: {  	s4 =	sld [smem:$0x3FFC];
	_ =	sdelay $0x3  }
0x95: {  	_ =	strace s4  }
0x96: {  	s4 =	sld [smem:$0x3FFD];
	_ =	sdelay $0x3  }
0x97: {  	_ =	strace s4  }
0x98: {  	_ =	strace $0x8FFFFFFF  }
0x99: {  	s20 =	sld [smem:$0x3FDB];
	_ =	sdelay $0x1  }
0x9a: {  	s5 =	simm.s32 $_scs_section_size  }
0x9b: {  	s6 =	simm.s32 $_size__tile_overlayer_lowered;
	s7 =	simm.s32 $_tile_overlayer_lowered  }
0x9c: {  	s23 =	simm.s32 $0x1BFF;
	s22 =	sshll.u32 s7, $0x1;
	s4 =	sadd.s32 s5, s20  }
0x9d: {  	s8 =	simm.s32 $0x0;
	s21 =	sshll.u32 s6, $0x1;
	s6 =	sadd.s32 s22, s4  }
0x9e: {  	[timem:s8], [sflag:s23] =	dma.local [hbm:s6], s21  }
0x9f: {  	_ =	swait.ge [sflag:s23], s21  }
0xa0: {  	s5 =	ssub.s32 $0x0, s21;
	[sflag:s23] =	ssyncset.done $0x0  }
0xa1: {  	[sflag:s23] =	ssyncadd.s32 s5;
	_ =	sdelay $0x1  }
0xa2: {  	s24 =	simm.s32 $0x1B8B  }
0xa3: {  	_ =	swait.ge [sflag:s24], $0x1  }
0xa4: {  	[sflag:s24] =	ssyncset.done $0x0  }
0xa5: {  	s25 =	simm.s32 $0x1B8E;
	[sflag:s24] =	ssyncadd.s32 $0xFFFFFFFF  }
0xa6: {  	s26 =	simm.s32 $execute0_lowered;
	[smem:$0x3FD2] =	sst s25  }
0xa7: {  	s5 =	sshll.u32 s26, $0x1;
	_ =	strace $0x80000046;
	[dreg:$0x1] =	wrdreg $0xFFFFFFFF  }
0xa8: {  	s28 =	simm.s32 $_size_execute0_lowered;
	s4 =	sadd.s32 s4, s5;
	[dreg:$0x0] =	wrdreg $0x0  }
0xa9: {  	s5 =	sshll.u32 s28, $0x1;
	[dreg:$0x2] =	wrdreg s4  }
0xaa: {  	[dreg:$0x3] =	wrdreg s5  }
0xab: {  	[dreg:$0x4] =	wrdreg $0xC0  }
0xac: {  	_ =	task [dreg:s8], $0x5FFFF  }
0xad: {  	[dreg:$0x1] =	wrdreg $0xFFFFFFFF  }
0xae: {  	[dreg:$0x0] =	wrdreg $0x60  }
0xaf: {  	[dreg:$0x2] =	wrdreg s2  }
0xb0: {  	[dreg:$0x3] =	wrdreg s19  }
0xb1: {  	[dreg:$0x4] =	wrdreg $0x64000  }
0xb2: {  	[dreg:$0x5] =	wrdreg $0x9  }
0xb3: {  	_ =	task.clear_ibuf [dreg:s8], $0x6FFFF;
	_ =	strace $0x90000046  }
0xb4: {  	s29 =	simm.s32 $0x9;
	_ =	strace $0x80000048  }
0xb5: {  	_ =	swait.ge [sflag:s29], $0x1  }
0xb6: {  	[sflag:s29] =	ssyncadd.s32 $0xFFFFFFFF  }
0xb7: {  	_ =	strace $0x90000048  }
0xb8: {  	_ =	sfence  }
0xb9: {  	s30 =	sld [smem:$0x0];
	_ =	sdelay $0x2  }
0xba: {  	s31 =	sshll.u32 s1, $0xD;
	s1 =	sshrl.u32 s1, $0x2  }
0xbb: {  	s3 =	sand.u32 $0x4000, s31;
	s1 =	sadd.s32 s1, s30  }
0xbc: {  	s0 =	sor.u32 s3, s0;
	s1 =	sshll.u32 s1, $0x11  }
0xbd: {  	s0 =	sor.u32 s1, s0  }
0xbe: {  	s0 =	sadd.s32 $0x8F2B, s0  }
0xbf: {  	[sflag:s0] =	ssyncadd.remote.s32 $0x1  }
0xc0: {  	_ =	sfence.sel $0xFFFF  }
0xc1: {  	[dreg:$0x0] =	wrdreg $0xFFFFFFFF;
	(pc) =	sbr.abs _section_cstart, $3  }
0xc2: {  	[dreg:$0x1] =	wrdreg $0xFFFFFFFF  }
0xc3: {  	_ =	task.clear_ibuf [dreg:s8], $0x2FFFF;
	_ =	strace $0x9FFFFFFF  }
0xc4: {  	(tm) =	ssettm $0x7FFFFFFF  }
0xc5: {  	_ =	shalt  }
tec
execute0_lowered:
.L_overlay_start_1:
0x0: {  	(tag) =	ssettag $0x1  }
0x1: {  	s2 =	rddreg [dreg:$0x0]  }
0x2: {  	s0 =	srdreg.scid;
	s5 =	rddreg [dreg:$0x1]  }
0x3: {  	s1 =	stileid.u32;
	s4 =	rddreg [dreg:$0x2]  }
0x4: {  	s26 =	rddreg [dreg:$0x3];
	p1 =	por $0x0, $0x0;
	s0 =	sand.u32 $0x1, s0  }
0x5: {  	[dreg:$0x4] =	wrdreg s2;
	s3 =	sshll.u32 s1, $0x6;
	s14 =	sshll.u32 s0, $0x5  }
0x6: {  	s2 =	simm.s32 $0x0;
	s0 =	ssub.s32 $0x2, s0;
	s6 =	sor.u32 s14, s3  }
0x7: {  	p0 =	sne.s32 s1, $0x0;
	s29 =	sshrl.u32 s0, $0x1;
	s7 =	smul.u32 $0x6400, s6  }
0x8: {  	s1 =	simm.s32 $0x1;
	[smem:$0x7FF] =	sst s2;
	s0 =	ssub.s32 s0, s29  }
0x9: {  	s6 =	smul.u32 $0xC80, s6;
	s0 =	smax.u32 s0, $0x1;
	s7 =	sshrl.u32 s7, $0x3  }
0xa: {  	_ =	strace $0x80000047;
	s31 =	sadd.s32 $0xFFFFFFFF, s0;
	s24 =	sadd.s32 s5, s7  }
0xb: {  	s0 =	rddreg [dreg:$0x4];
	s5 =	sadd.s32 s5, s6;
	s15 =	sadd.s32 $0xC800, s24  }
0xc: {  	p2 =	sne.s32 s31, $0x0;
	s16 =	sadd.s32 $0xC80, s5;
	[dreg:$0x5] =	wrdreg s15  }
0xd: {  	s17 =	sadd.s32 $0xD480, s24;
	s18 =	sadd.s32 $0x1900, s24;
	[dreg:$0x6] =	wrdreg s16  }
0xe: {  	s19 =	sadd.s32 $0xE100, s24;
	s20 =	sadd.s32 $0x2580, s24;
	[dreg:$0x7] =	wrdreg s17  }
0xf: {  	s21 =	sadd.s32 $0xED80, s24;
	s22 =	sadd.s32 $0x3200, s24;
	[dreg:$0x8] =	wrdreg s18  }
0x10: {  	s23 =	sadd.s32 $0xFA00, s24;
	s25 =	sadd.s32 $0x3E80, s24;
	[dreg:$0x9] =	wrdreg s19  }
0x11: {  	s28 =	sadd.s32 $0x10680, s24;
	s30 =	sadd.s32 $0x4B00, s24;
	[dreg:$0xa] =	wrdreg s20  }
0x12: {  	s6 =	sadd.s32 $0x11300, s24;
	s7 =	sadd.s32 $0x5780, s24;
	[dreg:$0xb] =	wrdreg s21  }
0x13: {  	s8 =	sadd.s32 $0x11F80, s24;
	s9 =	sadd.s32 $0x6400, s24;
	[dreg:$0xc] =	wrdreg s22  }
0x14: {  	s10 =	sadd.s32 $0x12C00, s24;
	s11 =	sadd.s32 $0x7080, s24;
	[dreg:$0xd] =	wrdreg s23  }
0x15: {  	s12 =	sadd.s32 $0x13880, s24;
	s13 =	sadd.s32 $0x7D00, s24;
	[dreg:$0xe] =	wrdreg s25  }
.Ltmp0:
0x16: {  	s14 =	sadd.s32 $0x14500, s24;
	[dreg:$0xf] =	wrdreg s28;
	(pc) =	sbr.rel @!p2 .LBB2_5-.Ltmp0, $4  }
0x17: {  	[dreg:$0x10] =	wrdreg s30;
	s15 =	sadd.s32 $0x8980, s24;
	s16 =	sadd.s32 $0x15180, s24  }
0x18: {  	s17 =	sadd.s32 $0x9600, s24;
	s18 =	sadd.s32 $0x15E00, s24;
	s19 =	sadd.s32 $0xA280, s24  }
0x19: {  	s20 =	sadd.s32 $0x16A80, s24;
	s21 =	sadd.s32 $0xAF00, s24;
	s22 =	sadd.s32 $0x17700, s24  }
0x1a: {  	s23 =	sadd.s32 $0xBB80, s24;
	s24 =	sadd.s32 $0x18380, s24;
	s25 =	simm.s32 $0x2  }
0x1b: {  	[tilespmem:s2], [sflag:$0x2] =	stream.linear.gather [hbm4b:s0+s2], $0x6400, $0x38;
	[tilespmem:$0x6A40] =	vst v63  }
0x1c: {  	_ =	swait.ge [sflag:s25], $0x6400  }
0x1d: {  	[sflag:s25] =	ssyncset.done $0x0  }
0x1e: {  	s26 =	simm.s32 @!p0 $0x0;
	s28 =	simm.s32 @!p0 $0x2;
	[sflag:s25] =	ssyncadd.s32 $0xFFFF9C00  }
0x1f: {  	[spmem:s4] =	stream.linear.scatter @!p0 [tilespmem:s26], [sflag:$0x2], $0x6400, $0x38;
	[tilespmem:$0x6A40] =	vst v63  }
0x20: {  	_ =	swait.ge @!p0 [sflag:s28], $0x6400  }
0x21: {  	[sflag:s28] =	ssyncset.done @!p0 $0x0  }
0x22: {  	[sflag:s28] =	ssyncadd.s32 @!p0 $0xFFFF9C00  }
0x23: {  	[bflag:$0x0] =	sbarrier.arrive $0xFFFF  }
0x24: {  	s0 =	rddreg [dreg:$0x5]  }
0x25: {  	[hbm4b:s5+s2] =	stream.linear.scatter [tilespmem:s2], [sflag:$0x1], $0x6400, $0x38;
	[tilespmem:$0x6A40] =	vst v63  }
0x26: {  	s29 =	sor.u32 $0x1C01, s3;
	s30 =	sshrl.u32 s4, $0x3;
	[dreg:$0x11] =	wrdreg s3  }
0x27: {  	[hbm:s0], [sflag:s29] =	dma.local [spmem:s30], $0xC80  }
0x28: {  	s0 =	rddreg [dreg:$0x6]  }
0x29: {  	s3 =	rddreg [dreg:$0x7]  }
0x2a: {  	[hbm4b:s0+s2] =	stream.linear.scatter [tilespmem:s2], [sflag:$0x1], $0x6400, $0x38;
	[tilespmem:$0x6A40] =	vst v63  }
0x2b: {  	[hbm:s3], [sflag:s29] =	dma.local [spmem:s30], $0xC80  }
0x2c: {  	s0 =	rddreg [dreg:$0x8]  }
0x2d: {  	s3 =	rddreg [dreg:$0x9]  }
0x2e: {  	[hbm4b:s0+s2] =	stream.linear.scatter [tilespmem:s2], [sflag:$0x1], $0x6400, $0x38;
	[tilespmem:$0x6A40] =	vst v63  }
0x2f: {  	[hbm:s3], [sflag:s29] =	dma.local [spmem:s30], $0xC80  }
0x30: {  	s0 =	rddreg [dreg:$0xa]  }
0x31: {  	s3 =	rddreg [dreg:$0xb]  }
0x32: {  	[hbm4b:s0+s2] =	stream.linear.scatter [tilespmem:s2], [sflag:$0x1], $0x6400, $0x38;
	[tilespmem:$0x6A40] =	vst v63  }
0x33: {  	[hbm:s3], [sflag:s29] =	dma.local [spmem:s30], $0xC80  }
0x34: {  	s0 =	rddreg [dreg:$0xc]  }
0x35: {  	s3 =	rddreg [dreg:$0xd]  }
0x36: {  	[hbm4b:s0+s2] =	stream.linear.scatter [tilespmem:s2], [sflag:$0x1], $0x6400, $0x38;
	[tilespmem:$0x6A40] =	vst v63  }
0x37: {  	[hbm:s3], [sflag:s29] =	dma.local [spmem:s30], $0xC80  }
0x38: {  	s0 =	rddreg [dreg:$0xe]  }
0x39: {  	s3 =	rddreg [dreg:$0xf]  }
0x3a: {  	[hbm4b:s0+s2] =	stream.linear.scatter [tilespmem:s2], [sflag:$0x1], $0x6400, $0x38;
	[tilespmem:$0x6A40] =	vst v63  }
0x3b: {  	[hbm:s3], [sflag:s29] =	dma.local [spmem:s30], $0xC80  }
0x3c: {  	s3 =	rddreg [dreg:$0x10]  }
0x3d: {  	[hbm4b:s3+s2] =	stream.linear.scatter [tilespmem:s2], [sflag:$0x1], $0x6400, $0x38;
	[tilespmem:$0x6A40] =	vst v63  }
0x3e: {  	[hbm:s6], [sflag:s29] =	dma.local [spmem:s30], $0xC80  }
0x3f: {  	[hbm4b:s7+s2] =	stream.linear.scatter [tilespmem:s2], [sflag:$0x1], $0x6400, $0x38;
	[tilespmem:$0x6A40] =	vst v63  }
0x40: {  	[hbm:s8], [sflag:s29] =	dma.local [spmem:s30], $0xC80  }
0x41: {  	[hbm4b:s9+s2] =	stream.linear.scatter [tilespmem:s2], [sflag:$0x1], $0x6400, $0x38;
	[tilespmem:$0x6A40] =	vst v63  }
0x42: {  	[hbm:s10], [sflag:s29] =	dma.local [spmem:s30], $0xC80  }
0x43: {  	[hbm4b:s11+s2] =	stream.linear.scatter [tilespmem:s2], [sflag:$0x1], $0x6400, $0x38;
	[tilespmem:$0x6A40] =	vst v63  }
0x44: {  	[hbm:s12], [sflag:s29] =	dma.local [spmem:s30], $0xC80  }
0x45: {  	[hbm4b:s13+s2] =	stream.linear.scatter [tilespmem:s2], [sflag:$0x1], $0x6400, $0x38;
	[tilespmem:$0x6A40] =	vst v63  }
0x46: {  	[hbm:s14], [sflag:s29] =	dma.local [spmem:s30], $0xC80  }
0x47: {  	[hbm4b:s15+s2] =	stream.linear.scatter [tilespmem:s2], [sflag:$0x1], $0x6400, $0x38;
	[tilespmem:$0x6A40] =	vst v63  }
0x48: {  	[hbm:s16], [sflag:s29] =	dma.local [spmem:s30], $0xC80  }
0x49: {  	[hbm4b:s17+s2] =	stream.linear.scatter [tilespmem:s2], [sflag:$0x1], $0x6400, $0x38;
	[tilespmem:$0x6A40] =	vst v63  }
0x4a: {  	[hbm:s18], [sflag:s29] =	dma.local [spmem:s30], $0xC80  }
0x4b: {  	[hbm4b:s19+s2] =	stream.linear.scatter [tilespmem:s2], [sflag:$0x1], $0x6400, $0x38;
	[tilespmem:$0x6A40] =	vst v63  }
0x4c: {  	[hbm:s20], [sflag:s29] =	dma.local [spmem:s30], $0xC80  }
0x4d: {  	[hbm4b:s21+s2] =	stream.linear.scatter [tilespmem:s2], [sflag:$0x1], $0x6400, $0x38;
	[tilespmem:$0x6A40] =	vst v63  }
0x4e: {  	[hbm:s22], [sflag:s29] =	dma.local [spmem:s30], $0xC80  }
0x4f: {  	[hbm4b:s23+s2] =	stream.linear.scatter [tilespmem:s2], [sflag:$0x1], $0x6400, $0x38;
	[tilespmem:$0x6A40] =	vst v63  }
0x50: {  	[hbm:s24], [sflag:s29] =	dma.local [spmem:s30], $0xC80  }
0x51: {  	_ =	swait.ge [sflag:s1], $0x6400  }
0x52: {  	[sflag:s1] =	ssyncset.done $0x0  }
0x53: {  	[sflag:s1] =	ssyncadd.s32 $0xFFFF9C00  }
0x54: {  	_ =	swait.ge [sflag:s1], $0xC80  }
0x55: {  	[sflag:s1] =	ssyncset.done $0x0  }
0x56: {  	[sflag:s1] =	ssyncadd.s32 $0xFFFFF380  }
0x57: {  	_ =	swait.ge [sflag:s1], $0x6400  }
0x58: {  	[sflag:s1] =	ssyncset.done $0x0  }
0x59: {  	[sflag:s1] =	ssyncadd.s32 $0xFFFF9C00  }
0x5a: {  	_ =	swait.ge [sflag:s1], $0xC80  }
0x5b: {  	[sflag:s1] =	ssyncset.done $0x0  }
0x5c: {  	[sflag:s1] =	ssyncadd.s32 $0xFFFFF380  }
0x5d: {  	_ =	swait.ge [sflag:s1], $0x6400  }
0x5e: {  	[sflag:s1] =	ssyncset.done $0x0  }
0x5f: {  	[sflag:s1] =	ssyncadd.s32 $0xFFFF9C00  }
0x60: {  	_ =	swait.ge [sflag:s1], $0xC80  }
0x61: {  	[sflag:s1] =	ssyncset.done $0x0  }
0x62: {  	[sflag:s1] =	ssyncadd.s32 $0xFFFFF380  }
0x63: {  	_ =	swait.ge [sflag:s1], $0x6400  }
0x64: {  	[sflag:s1] =	ssyncset.done $0x0  }
0x65: {  	[sflag:s1] =	ssyncadd.s32 $0xFFFF9C00  }
0x66: {  	_ =	swait.ge [sflag:s1], $0xC80  }
0x67: {  	[sflag:s1] =	ssyncset.done $0x0  }
0x68: {  	[sflag:s1] =	ssyncadd.s32 $0xFFFFF380  }
0x69: {  	_ =	swait.ge [sflag:s1], $0x6400  }
0x6a: {  	[sflag:s1] =	ssyncset.done $0x0  }
0x6b: {  	[sflag:s1] =	ssyncadd.s32 $0xFFFF9C00  }
0x6c: {  	_ =	swait.ge [sflag:s1], $0xC80  }
0x6d: {  	[sflag:s1] =	ssyncset.done $0x0  }
0x6e: {  	[sflag:s1] =	ssyncadd.s32 $0xFFFFF380  }
0x6f: {  	_ =	swait.ge [sflag:s1], $0x6400  }
0x70: {  	[sflag:s1] =	ssyncset.done $0x0  }
0x71: {  	[sflag:s1] =	ssyncadd.s32 $0xFFFF9C00  }
0x72: {  	_ =	swait.ge [sflag:s1], $0xC80  }
0x73: {  	[sflag:s1] =	ssyncset.done $0x0  }
0x74: {  	[sflag:s1] =	ssyncadd.s32 $0xFFFFF380  }
0x75: {  	_ =	swait.ge [sflag:s1], $0x6400  }
0x76: {  	[sflag:s1] =	ssyncset.done $0x0  }
0x77: {  	[sflag:s1] =	ssyncadd.s32 $0xFFFF9C00  }
0x78: {  	_ =	swait.ge [sflag:s1], $0xC80  }
0x79: {  	[sflag:s1] =	ssyncset.done $0x0  }
0x7a: {  	[sflag:s1] =	ssyncadd.s32 $0xFFFFF380  }
0x7b: {  	_ =	swait.ge [sflag:s1], $0x6400  }
0x7c: {  	[sflag:s1] =	ssyncset.done $0x0  }
0x7d: {  	[sflag:s1] =	ssyncadd.s32 $0xFFFF9C00  }
0x7e: {  	_ =	swait.ge [sflag:s1], $0xC80  }
0x7f: {  	[sflag:s1] =	ssyncset.done $0x0  }
0x80: {  	[sflag:s1] =	ssyncadd.s32 $0xFFFFF380  }
0x81: {  	_ =	swait.ge [sflag:s1], $0x6400  }
0x82: {  	[sflag:s1] =	ssyncset.done $0x0  }
0x83: {  	[sflag:s1] =	ssyncadd.s32 $0xFFFF9C00  }
0x84: {  	_ =	swait.ge [sflag:s1], $0xC80  }
0x85: {  	[sflag:s1] =	ssyncset.done $0x0  }
0x86: {  	[sflag:s1] =	ssyncadd.s32 $0xFFFFF380  }
0x87: {  	_ =	swait.ge [sflag:s1], $0x6400  }
0x88: {  	[sflag:s1] =	ssyncset.done $0x0  }
0x89: {  	[sflag:s1] =	ssyncadd.s32 $0xFFFF9C00  }
0x8a: {  	_ =	swait.ge [sflag:s1], $0xC80  }
0x8b: {  	[sflag:s1] =	ssyncset.done $0x0  }
0x8c: {  	[sflag:s1] =	ssyncadd.s32 $0xFFFFF380  }
0x8d: {  	_ =	swait.ge [sflag:s1], $0x6400  }
0x8e: {  	[sflag:s1] =	ssyncset.done $0x0  }
0x8f: {  	[sflag:s1] =	ssyncadd.s32 $0xFFFF9C00  }
0x90: {  	_ =	swait.ge [sflag:s1], $0xC80  }
0x91: {  	[sflag:s1] =	ssyncset.done $0x0  }
0x92: {  	[sflag:s1] =	ssyncadd.s32 $0xFFFFF380  }
0x93: {  	_ =	swait.ge [sflag:s1], $0x6400  }
0x94: {  	[sflag:s1] =	ssyncset.done $0x0  }
0x95: {  	[sflag:s1] =	ssyncadd.s32 $0xFFFF9C00  }
0x96: {  	_ =	swait.ge [sflag:s1], $0xC80  }
0x97: {  	[sflag:s1] =	ssyncset.done $0x0  }
0x98: {  	[sflag:s1] =	ssyncadd.s32 $0xFFFFF380  }
0x99: {  	_ =	swait.ge [sflag:s1], $0x6400  }
0x9a: {  	[sflag:s1] =	ssyncset.done $0x0  }
0x9b: {  	[sflag:s1] =	ssyncadd.s32 $0xFFFF9C00  }
0x9c: {  	_ =	swait.ge [sflag:s1], $0xC80  }
0x9d: {  	[sflag:s1] =	ssyncset.done $0x0  }
0x9e: {  	[sflag:s1] =	ssyncadd.s32 $0xFFFFF380  }
0x9f: {  	_ =	swait.ge [sflag:s1], $0x6400  }
0xa0: {  	[sflag:s1] =	ssyncset.done $0x0  }
0xa1: {  	[sflag:s1] =	ssyncadd.s32 $0xFFFF9C00  }
0xa2: {  	_ =	swait.ge [sflag:s1], $0xC80  }
0xa3: {  	[sflag:s1] =	ssyncset.done $0x0  }
0xa4: {  	[sflag:s1] =	ssyncadd.s32 $0xFFFFF380  }
0xa5: {  	_ =	swait.ge [sflag:s1], $0x6400  }
0xa6: {  	[sflag:s1] =	ssyncset.done $0x0  }
0xa7: {  	[sflag:s1] =	ssyncadd.s32 $0xFFFF9C00  }
0xa8: {  	_ =	swait.ge [sflag:s1], $0xC80  }
0xa9: {  	s31 =	sadd.s32 $0xFFFFFFFF, s31;
	[sflag:s1] =	ssyncset.done $0x0  }
0xaa: {  	p2 =	sne.s32 s31, $0x0;
	[sflag:s1] =	ssyncadd.s32 $0xFFFFF380  }
.Ltmp1:
0xab: {  	_ =	swait.ge [sflag:s1], $0x6400;
	(pc) =	sbr.rel @!p2 .LBB2_2-.Ltmp1, $4  }
0xac: {  	[sflag:s1] =	ssyncset.done $0x0  }
0xad: {  	[sflag:s1] =	ssyncadd.s32 $0xFFFF9C00  }
0xae: {  	_ =	swait.ge [sflag:s1], $0xC80  }
0xaf: {  	p1 =	por $0x1, $0x1;
	s0 =	rddreg [dreg:$0x4];
	[sflag:s1] =	ssyncset.done $0x0  }
.LBB2_3:
0xb0: {  	[sflag:s1] =	ssyncadd.s32 $0xFFFFF380  }
0xb1: {  	[tilespmem:s2], [sflag:$0x2] =	stream.linear.gather [hbm4b:s0+s2], $0x6400, $0x38;
	[tilespmem:$0x6A40] =	vst v63  }
0xb2: {  	_ =	swait.ge [sflag:s25], $0x6400  }
0xb3: {  	[sflag:s25] =	ssyncset.done $0x0  }
0xb4: {  	[sflag:s25] =	ssyncadd.s32 $0xFFFF9C00  }
0xb5: {  	[spmem:s4] =	stream.linear.scatter @!p0 [tilespmem:s26], [sflag:$0x2], $0x6400, $0x38;
	[tilespmem:$0x6A40] =	vst v63  }
0xb6: {  	_ =	swait.ge @!p0 [sflag:s28], $0x6400  }
0xb7: {  	[sflag:s28] =	ssyncset.done @!p0 $0x0  }
0xb8: {  	[sflag:s28] =	ssyncadd.s32 @!p0 $0xFFFF9C00  }
0xb9: {  	[bflag:$0x0] =	sbarrier.arrive $0xFFFF  }
0xba: {  	s3 =	rddreg [dreg:$0x5]  }
0xbb: {  	[hbm4b:s5+s2] =	stream.linear.scatter [tilespmem:s2], [sflag:$0x1], $0x6400, $0x38;
	[tilespmem:$0x6A40] =	vst v63  }
0xbc: {  	[hbm:s3], [sflag:s29] =	dma.local [spmem:s30], $0xC80  }
0xbd: {  	s0 =	rddreg [dreg:$0x6]  }
0xbe: {  	s3 =	rddreg [dreg:$0x7]  }
0xbf: {  	[hbm4b:s0+s2] =	stream.linear.scatter [tilespmem:s2], [sflag:$0x1], $0x6400, $0x38;
	[tilespmem:$0x6A40] =	vst v63  }
0xc0: {  	[hbm:s3], [sflag:s29] =	dma.local [spmem:s30], $0xC80  }
0xc1: {  	s0 =	rddreg [dreg:$0x8]  }
0xc2: {  	s3 =	rddreg [dreg:$0x9]  }
0xc3: {  	[hbm4b:s0+s2] =	stream.linear.scatter [tilespmem:s2], [sflag:$0x1], $0x6400, $0x38;
	[tilespmem:$0x6A40] =	vst v63  }
0xc4: {  	[hbm:s3], [sflag:s29] =	dma.local [spmem:s30], $0xC80  }
0xc5: {  	s0 =	rddreg [dreg:$0xa]  }
0xc6: {  	s3 =	rddreg [dreg:$0xb]  }
0xc7: {  	[hbm4b:s0+s2] =	stream.linear.scatter [tilespmem:s2], [sflag:$0x1], $0x6400, $0x38;
	[tilespmem:$0x6A40] =	vst v63  }
0xc8: {  	[hbm:s3], [sflag:s29] =	dma.local [spmem:s30], $0xC80  }
0xc9: {  	s0 =	rddreg [dreg:$0xc]  }
0xca: {  	s3 =	rddreg [dreg:$0xd]  }
0xcb: {  	[hbm4b:s0+s2] =	stream.linear.scatter [tilespmem:s2], [sflag:$0x1], $0x6400, $0x38;
	[tilespmem:$0x6A40] =	vst v63  }
0xcc: {  	[hbm:s3], [sflag:s29] =	dma.local [spmem:s30], $0xC80  }
0xcd: {  	s0 =	rddreg [dreg:$0xe]  }
0xce: {  	s3 =	rddreg [dreg:$0xf]  }
0xcf: {  	[hbm4b:s0+s2] =	stream.linear.scatter [tilespmem:s2], [sflag:$0x1], $0x6400, $0x38;
	[tilespmem:$0x6A40] =	vst v63  }
0xd0: {  	[hbm:s3], [sflag:s29] =	dma.local [spmem:s30], $0xC80  }
0xd1: {  	s3 =	rddreg [dreg:$0x10]  }
0xd2: {  	[hbm4b:s3+s2] =	stream.linear.scatter [tilespmem:s2], [sflag:$0x1], $0x6400, $0x38;
	[tilespmem:$0x6A40] =	vst v63  }
0xd3: {  	[hbm:s6], [sflag:s29] =	dma.local [spmem:s30], $0xC80  }
0xd4: {  	[hbm4b:s7+s2] =	stream.linear.scatter [tilespmem:s2], [sflag:$0x1], $0x6400, $0x38;
	[tilespmem:$0x6A40] =	vst v63  }
0xd5: {  	[hbm:s8], [sflag:s29] =	dma.local [spmem:s30], $0xC80  }
0xd6: {  	[hbm4b:s9+s2] =	stream.linear.scatter [tilespmem:s2], [sflag:$0x1], $0x6400, $0x38;
	[tilespmem:$0x6A40] =	vst v63  }
0xd7: {  	[hbm:s10], [sflag:s29] =	dma.local [spmem:s30], $0xC80  }
0xd8: {  	[hbm4b:s11+s2] =	stream.linear.scatter [tilespmem:s2], [sflag:$0x1], $0x6400, $0x38;
	[tilespmem:$0x6A40] =	vst v63  }
0xd9: {  	[hbm:s12], [sflag:s29] =	dma.local [spmem:s30], $0xC80  }
0xda: {  	[hbm4b:s13+s2] =	stream.linear.scatter [tilespmem:s2], [sflag:$0x1], $0x6400, $0x38;
	[tilespmem:$0x6A40] =	vst v63  }
0xdb: {  	[hbm:s14], [sflag:s29] =	dma.local [spmem:s30], $0xC80  }
0xdc: {  	[hbm4b:s15+s2] =	stream.linear.scatter [tilespmem:s2], [sflag:$0x1], $0x6400, $0x38;
	[tilespmem:$0x6A40] =	vst v63  }
0xdd: {  	[hbm:s16], [sflag:s29] =	dma.local [spmem:s30], $0xC80  }
0xde: {  	[hbm4b:s17+s2] =	stream.linear.scatter [tilespmem:s2], [sflag:$0x1], $0x6400, $0x38;
	[tilespmem:$0x6A40] =	vst v63  }
0xdf: {  	[hbm:s18], [sflag:s29] =	dma.local [spmem:s30], $0xC80  }
0xe0: {  	[hbm4b:s19+s2] =	stream.linear.scatter [tilespmem:s2], [sflag:$0x1], $0x6400, $0x38;
	[tilespmem:$0x6A40] =	vst v63  }
0xe1: {  	[hbm:s20], [sflag:s29] =	dma.local [spmem:s30], $0xC80  }
0xe2: {  	[hbm4b:s21+s2] =	stream.linear.scatter [tilespmem:s2], [sflag:$0x1], $0x6400, $0x38;
	[tilespmem:$0x6A40] =	vst v63  }
0xe3: {  	[hbm:s22], [sflag:s29] =	dma.local [spmem:s30], $0xC80  }
0xe4: {  	[hbm4b:s23+s2] =	stream.linear.scatter [tilespmem:s2], [sflag:$0x1], $0x6400, $0x38;
	[tilespmem:$0x6A40] =	vst v63  }
0xe5: {  	[hbm:s24], [sflag:s29] =	dma.local [spmem:s30], $0xC80  }
0xe6: {  	_ =	swait.ge [sflag:s1], $0x6400  }
0xe7: {  	[sflag:s1] =	ssyncset.done $0x0  }
0xe8: {  	[sflag:s1] =	ssyncadd.s32 $0xFFFF9C00  }
0xe9: {  	_ =	swait.ge [sflag:s1], $0xC80  }
0xea: {  	[sflag:s1] =	ssyncset.done $0x0  }
0xeb: {  	[sflag:s1] =	ssyncadd.s32 $0xFFFFF380  }
0xec: {  	_ =	swait.ge [sflag:s1], $0x6400  }
0xed: {  	[sflag:s1] =	ssyncset.done $0x0  }
0xee: {  	[sflag:s1] =	ssyncadd.s32 $0xFFFF9C00  }
0xef: {  	_ =	swait.ge [sflag:s1], $0xC80  }
0xf0: {  	[sflag:s1] =	ssyncset.done $0x0  }
0xf1: {  	[sflag:s1] =	ssyncadd.s32 $0xFFFFF380  }
0xf2: {  	_ =	swait.ge [sflag:s1], $0x6400  }
0xf3: {  	[sflag:s1] =	ssyncset.done $0x0  }
0xf4: {  	[sflag:s1] =	ssyncadd.s32 $0xFFFF9C00  }
0xf5: {  	_ =	swait.ge [sflag:s1], $0xC80  }
0xf6: {  	[sflag:s1] =	ssyncset.done $0x0  }
0xf7: {  	[sflag:s1] =	ssyncadd.s32 $0xFFFFF380  }
0xf8: {  	_ =	swait.ge [sflag:s1], $0x6400  }
0xf9: {  	[sflag:s1] =	ssyncset.done $0x0  }
0xfa: {  	[sflag:s1] =	ssyncadd.s32 $0xFFFF9C00  }
0xfb: {  	_ =	swait.ge [sflag:s1], $0xC80  }
0xfc: {  	[sflag:s1] =	ssyncset.done $0x0  }
0xfd: {  	[sflag:s1] =	ssyncadd.s32 $0xFFFFF380  }
0xfe: {  	_ =	swait.ge [sflag:s1], $0x6400  }
0xff: {  	[sflag:s1] =	ssyncset.done $0x0  }
0x100: {  	[sflag:s1] =	ssyncadd.s32 $0xFFFF9C00  }
0x101: {  	_ =	swait.ge [sflag:s1], $0xC80  }
0x102: {  	[sflag:s1] =	ssyncset.done $0x0  }
0x103: {  	[sflag:s1] =	ssyncadd.s32 $0xFFFFF380  }
0x104: {  	_ =	swait.ge [sflag:s1], $0x6400  }
0x105: {  	[sflag:s1] =	ssyncset.done $0x0  }
0x106: {  	[sflag:s1] =	ssyncadd.s32 $0xFFFF9C00  }
0x107: {  	_ =	swait.ge [sflag:s1], $0xC80  }
0x108: {  	[sflag:s1] =	ssyncset.done $0x0  }
0x109: {  	[sflag:s1] =	ssyncadd.s32 $0xFFFFF380  }
0x10a: {  	_ =	swait.ge [sflag:s1], $0x6400  }
0x10b: {  	[sflag:s1] =	ssyncset.done $0x0  }
0x10c: {  	[sflag:s1] =	ssyncadd.s32 $0xFFFF9C00  }
0x10d: {  	_ =	swait.ge [sflag:s1], $0xC80  }
0x10e: {  	[sflag:s1] =	ssyncset.done $0x0  }
0x10f: {  	[sflag:s1] =	ssyncadd.s32 $0xFFFFF380  }
0x110: {  	_ =	swait.ge [sflag:s1], $0x6400  }
0x111: {  	[sflag:s1] =	ssyncset.done $0x0  }
0x112: {  	[sflag:s1] =	ssyncadd.s32 $0xFFFF9C00  }
0x113: {  	_ =	swait.ge [sflag:s1], $0xC80  }
0x114: {  	[sflag:s1] =	ssyncset.done $0x0  }
0x115: {  	[sflag:s1] =	ssyncadd.s32 $0xFFFFF380  }
0x116: {  	_ =	swait.ge [sflag:s1], $0x6400  }
0x117: {  	[sflag:s1] =	ssyncset.done $0x0  }
0x118: {  	[sflag:s1] =	ssyncadd.s32 $0xFFFF9C00  }
0x119: {  	_ =	swait.ge [sflag:s1], $0xC80  }
0x11a: {  	[sflag:s1] =	ssyncset.done $0x0  }
0x11b: {  	[sflag:s1] =	ssyncadd.s32 $0xFFFFF380  }
0x11c: {  	_ =	swait.ge [sflag:s1], $0x6400  }
0x11d: {  	[sflag:s1] =	ssyncset.done $0x0  }
0x11e: {  	[sflag:s1] =	ssyncadd.s32 $0xFFFF9C00  }
0x11f: {  	_ =	swait.ge [sflag:s1], $0xC80  }
0x120: {  	[sflag:s1] =	ssyncset.done $0x0  }
0x121: {  	[sflag:s1] =	ssyncadd.s32 $0xFFFFF380  }
0x122: {  	_ =	swait.ge [sflag:s1], $0x6400  }
0x123: {  	[sflag:s1] =	ssyncset.done $0x0  }
0x124: {  	[sflag:s1] =	ssyncadd.s32 $0xFFFF9C00  }
0x125: {  	_ =	swait.ge [sflag:s1], $0xC80  }
0x126: {  	[sflag:s1] =	ssyncset.done $0x0  }
0x127: {  	[sflag:s1] =	ssyncadd.s32 $0xFFFFF380  }
0x128: {  	_ =	swait.ge [sflag:s1], $0x6400  }
0x129: {  	[sflag:s1] =	ssyncset.done $0x0  }
0x12a: {  	[sflag:s1] =	ssyncadd.s32 $0xFFFF9C00  }
0x12b: {  	_ =	swait.ge [sflag:s1], $0xC80  }
0x12c: {  	[sflag:s1] =	ssyncset.done $0x0  }
0x12d: {  	[sflag:s1] =	ssyncadd.s32 $0xFFFFF380  }
0x12e: {  	_ =	swait.ge [sflag:s1], $0x6400  }
0x12f: {  	[sflag:s1] =	ssyncset.done $0x0  }
0x130: {  	[sflag:s1] =	ssyncadd.s32 $0xFFFF9C00  }
0x131: {  	_ =	swait.ge [sflag:s1], $0xC80  }
0x132: {  	[sflag:s1] =	ssyncset.done $0x0  }
0x133: {  	[sflag:s1] =	ssyncadd.s32 $0xFFFFF380  }
0x134: {  	_ =	swait.ge [sflag:s1], $0x6400  }
0x135: {  	[sflag:s1] =	ssyncset.done $0x0  }
0x136: {  	[sflag:s1] =	ssyncadd.s32 $0xFFFF9C00  }
0x137: {  	_ =	swait.ge [sflag:s1], $0xC80  }
0x138: {  	[sflag:s1] =	ssyncset.done $0x0  }
0x139: {  	[sflag:s1] =	ssyncadd.s32 $0xFFFFF380  }
0x13a: {  	_ =	swait.ge [sflag:s1], $0x6400  }
0x13b: {  	[sflag:s1] =	ssyncset.done $0x0  }
0x13c: {  	[sflag:s1] =	ssyncadd.s32 $0xFFFF9C00  }
0x13d: {  	_ =	swait.ge [sflag:s1], $0xC80  }
0x13e: {  	s31 =	sadd.s32 $0xFFFFFFFF, s31;
	[sflag:s1] =	ssyncset.done $0x0  }
0x13f: {  	p2 =	sne.s32 s31, $0x0;
	[sflag:s1] =	ssyncadd.s32 $0xFFFFF380  }
.Ltmp2:
0x140: {  	_ =	swait.ge [sflag:s1], $0x6400;
	(pc) =	sbr.rel @p2 .LBB2_3-.Ltmp2, $4  }
0x141: {  	[sflag:s1] =	ssyncset.done $0x0  }
0x142: {  	[sflag:s1] =	ssyncadd.s32 $0xFFFF9C00  }
0x143: {  	_ =	swait.ge [sflag:s1], $0xC80  }
0x144: {  	s0 =	rddreg [dreg:$0x4];
	[sflag:s1] =	ssyncset.done $0x0  }
0x145: {  	s26 =	rddreg [dreg:$0x3]  }
0x146: {  	s3 =	rddreg [dreg:$0x11]  }
.LBB2_5:
0x147: {  	[sflag:s1] =	ssyncadd.s32 @p1 $0xFFFFF380  }
0x148: {  	[tilespmem:s2], [sflag:$0x2] =	stream.linear.gather [hbm4b:s0+s2], $0x6400, $0x38;
	[tilespmem:$0x6A40] =	vst v63  }
0x149: {  	_ =	swait.ge [sflag:s25], $0x6400  }
0x14a: {  	[sflag:s25] =	ssyncset.done $0x0  }
0x14b: {  	s0 =	simm.s32 @!p0 $0x0;
	[sflag:s25] =	ssyncadd.s32 $0xFFFF9C00  }
0x14c: {  	[spmem:s4] =	stream.linear.scatter @!p0 [tilespmem:s0], [sflag:$0x2], $0x6400, $0x38;
	[tilespmem:$0x6A40] =	vst v63  }
0x14d: {  	s0 =	simm.s32 @!p0 $0x2  }
0x14e: {  	_ =	swait.ge @!p0 [sflag:s0], $0x6400  }
0x14f: {  	[sflag:s0] =	ssyncset.done @!p0 $0x0  }
0x150: {  	[sflag:s0] =	ssyncadd.s32 @!p0 $0xFFFF9C00  }
0x151: {  	[bflag:$0x0] =	sbarrier.arrive $0xFFFF  }
0x152: {  	s3 =	sor.u32 $0x1C01, s3;
	s4 =	sshrl.u32 s4, $0x3;
	s30 =	rddreg [dreg:$0x5]  }
0x153: {  	[hbm4b:s5+s2] =	stream.linear.scatter [tilespmem:s2], [sflag:$0x1], $0x6400, $0x38;
	[tilespmem:$0x6A40] =	vst v63  }
0x154: {  	[hbm:s30], [sflag:s3] =	dma.local [spmem:s4], $0xC80  }
0x155: {  	s0 =	rddreg [dreg:$0x6]  }
0x156: {  	s31 =	rddreg [dreg:$0x7]  }
0x157: {  	[hbm4b:s0+s2] =	stream.linear.scatter [tilespmem:s2], [sflag:$0x1], $0x6400, $0x38;
	[tilespmem:$0x6A40] =	vst v63  }
0x158: {  	[hbm:s31], [sflag:s3] =	dma.local [spmem:s4], $0xC80  }
0x159: {  	s25 =	rddreg [dreg:$0x8]  }
0x15a: {  	s5 =	rddreg [dreg:$0x9]  }
0x15b: {  	[hbm4b:s25+s2] =	stream.linear.scatter [tilespmem:s2], [sflag:$0x1], $0x6400, $0x38;
	[tilespmem:$0x6A40] =	vst v63  }
0x15c: {  	[hbm:s5], [sflag:s3] =	dma.local [spmem:s4], $0xC80  }
0x15d: {  	s28 =	rddreg [dreg:$0xa]  }
0x15e: {  	s5 =	rddreg [dreg:$0xb]  }
0x15f: {  	[hbm4b:s28+s2] =	stream.linear.scatter [tilespmem:s2], [sflag:$0x1], $0x6400, $0x38;
	[tilespmem:$0x6A40] =	vst v63  }
0x160: {  	[hbm:s5], [sflag:s3] =	dma.local [spmem:s4], $0xC80  }
0x161: {  	s29 =	rddreg [dreg:$0xc]  }
0x162: {  	s5 =	rddreg [dreg:$0xd]  }
0x163: {  	[hbm4b:s29+s2] =	stream.linear.scatter [tilespmem:s2], [sflag:$0x1], $0x6400, $0x38;
	[tilespmem:$0x6A40] =	vst v63  }
0x164: {  	[hbm:s5], [sflag:s3] =	dma.local [spmem:s4], $0xC80  }
0x165: {  	s30 =	rddreg [dreg:$0xe]  }
0x166: {  	s5 =	rddreg [dreg:$0xf]  }
0x167: {  	[hbm4b:s30+s2] =	stream.linear.scatter [tilespmem:s2], [sflag:$0x1], $0x6400, $0x38;
	[tilespmem:$0x6A40] =	vst v63  }
0x168: {  	[hbm:s5], [sflag:s3] =	dma.local [spmem:s4], $0xC80  }
0x169: {  	s31 =	rddreg [dreg:$0x10]  }
0x16a: {  	[hbm4b:s31+s2] =	stream.linear.scatter [tilespmem:s2], [sflag:$0x1], $0x6400, $0x38;
	[tilespmem:$0x6A40] =	vst v63  }
0x16b: {  	[hbm:s6], [sflag:s3] =	dma.local [spmem:s4], $0xC80  }
0x16c: {  	[hbm4b:s7+s2] =	stream.linear.scatter [tilespmem:s2], [sflag:$0x1], $0x6400, $0x38;
	[tilespmem:$0x6A40] =	vst v63  }
0x16d: {  	[hbm:s8], [sflag:s3] =	dma.local [spmem:s4], $0xC80  }
0x16e: {  	[hbm4b:s9+s2] =	stream.linear.scatter [tilespmem:s2], [sflag:$0x1], $0x6400, $0x38;
	[tilespmem:$0x6A40] =	vst v63  }
0x16f: {  	[hbm:s10], [sflag:s3] =	dma.local [spmem:s4], $0xC80  }
0x170: {  	[hbm4b:s11+s2] =	stream.linear.scatter [tilespmem:s2], [sflag:$0x1], $0x6400, $0x38;
	[tilespmem:$0x6A40] =	vst v63  }
0x171: {  	[hbm:s12], [sflag:s3] =	dma.local [spmem:s4], $0xC80  }
0x172: {  	[hbm4b:s13+s2] =	stream.linear.scatter [tilespmem:s2], [sflag:$0x1], $0x6400, $0x38;
	[tilespmem:$0x6A40] =	vst v63  }
0x173: {  	[hbm:s14], [sflag:s3] =	dma.local [spmem:s4], $0xC80  }
0x174: {  	[hbm4b:s15+s2] =	stream.linear.scatter [tilespmem:s2], [sflag:$0x1], $0x6400, $0x38;
	[tilespmem:$0x6A40] =	vst v63  }
0x175: {  	[hbm:s16], [sflag:s3] =	dma.local [spmem:s4], $0xC80  }
0x176: {  	[hbm4b:s17+s2] =	stream.linear.scatter [tilespmem:s2], [sflag:$0x1], $0x6400, $0x38;
	[tilespmem:$0x6A40] =	vst v63  }
0x177: {  	[hbm:s18], [sflag:s3] =	dma.local [spmem:s4], $0xC80  }
0x178: {  	[hbm4b:s19+s2] =	stream.linear.scatter [tilespmem:s2], [sflag:$0x1], $0x6400, $0x38;
	[tilespmem:$0x6A40] =	vst v63  }
0x179: {  	[hbm:s20], [sflag:s3] =	dma.local [spmem:s4], $0xC80  }
0x17a: {  	[hbm4b:s21+s2] =	stream.linear.scatter [tilespmem:s2], [sflag:$0x1], $0x6400, $0x38;
	[tilespmem:$0x6A40] =	vst v63  }
0x17b: {  	[hbm:s22], [sflag:s3] =	dma.local [spmem:s4], $0xC80  }
0x17c: {  	[hbm4b:s23+s2] =	stream.linear.scatter [tilespmem:s2], [sflag:$0x1], $0x6400, $0x38;
	[tilespmem:$0x6A40] =	vst v63  }
0x17d: {  	[hbm:s24], [sflag:s3] =	dma.local [spmem:s4], $0xC80  }
0x17e: {  	_ =	swait.ge [sflag:s1], $0x6400  }
0x17f: {  	[sflag:s1] =	ssyncset.done $0x0  }
0x180: {  	[sflag:s1] =	ssyncadd.s32 $0xFFFF9C00  }
0x181: {  	_ =	swait.ge [sflag:s1], $0xC80  }
0x182: {  	[sflag:s1] =	ssyncset.done $0x0  }
0x183: {  	[sflag:s1] =	ssyncadd.s32 $0xFFFFF380  }
0x184: {  	_ =	swait.ge [sflag:s1], $0x6400  }
0x185: {  	[sflag:s1] =	ssyncset.done $0x0  }
0x186: {  	[sflag:s1] =	ssyncadd.s32 $0xFFFF9C00  }
0x187: {  	_ =	swait.ge [sflag:s1], $0xC80  }
0x188: {  	[sflag:s1] =	ssyncset.done $0x0  }
0x189: {  	[sflag:s1] =	ssyncadd.s32 $0xFFFFF380  }
0x18a: {  	_ =	swait.ge [sflag:s1], $0x6400  }
0x18b: {  	[sflag:s1] =	ssyncset.done $0x0  }
0x18c: {  	[sflag:s1] =	ssyncadd.s32 $0xFFFF9C00  }
0x18d: {  	_ =	swait.ge [sflag:s1], $0xC80  }
0x18e: {  	[sflag:s1] =	ssyncset.done $0x0  }
0x18f: {  	[sflag:s1] =	ssyncadd.s32 $0xFFFFF380  }
0x190: {  	_ =	swait.ge [sflag:s1], $0x6400  }
0x191: {  	[sflag:s1] =	ssyncset.done $0x0  }
0x192: {  	[sflag:s1] =	ssyncadd.s32 $0xFFFF9C00  }
0x193: {  	_ =	swait.ge [sflag:s1], $0xC80  }
0x194: {  	[sflag:s1] =	ssyncset.done $0x0  }
0x195: {  	[sflag:s1] =	ssyncadd.s32 $0xFFFFF380  }
0x196: {  	_ =	swait.ge [sflag:s1], $0x6400  }
0x197: {  	[sflag:s1] =	ssyncset.done $0x0  }
0x198: {  	[sflag:s1] =	ssyncadd.s32 $0xFFFF9C00  }
0x199: {  	_ =	swait.ge [sflag:s1], $0xC80  }
0x19a: {  	[sflag:s1] =	ssyncset.done $0x0  }
0x19b: {  	[sflag:s1] =	ssyncadd.s32 $0xFFFFF380  }
0x19c: {  	_ =	swait.ge [sflag:s1], $0x6400  }
0x19d: {  	[sflag:s1] =	ssyncset.done $0x0  }
0x19e: {  	[sflag:s1] =	ssyncadd.s32 $0xFFFF9C00  }
0x19f: {  	_ =	swait.ge [sflag:s1], $0xC80  }
0x1a0: {  	[sflag:s1] =	ssyncset.done $0x0  }
0x1a1: {  	[sflag:s1] =	ssyncadd.s32 $0xFFFFF380  }
0x1a2: {  	_ =	swait.ge [sflag:s1], $0x6400  }
0x1a3: {  	[sflag:s1] =	ssyncset.done $0x0  }
0x1a4: {  	[sflag:s1] =	ssyncadd.s32 $0xFFFF9C00  }
0x1a5: {  	_ =	swait.ge [sflag:s1], $0xC80  }
0x1a6: {  	[sflag:s1] =	ssyncset.done $0x0  }
0x1a7: {  	[sflag:s1] =	ssyncadd.s32 $0xFFFFF380  }
0x1a8: {  	_ =	swait.ge [sflag:s1], $0x6400  }
0x1a9: {  	[sflag:s1] =	ssyncset.done $0x0  }
0x1aa: {  	[sflag:s1] =	ssyncadd.s32 $0xFFFF9C00  }
0x1ab: {  	_ =	swait.ge [sflag:s1], $0xC80  }
0x1ac: {  	[sflag:s1] =	ssyncset.done $0x0  }
0x1ad: {  	[sflag:s1] =	ssyncadd.s32 $0xFFFFF380  }
0x1ae: {  	_ =	swait.ge [sflag:s1], $0x6400  }
0x1af: {  	[sflag:s1] =	ssyncset.done $0x0  }
0x1b0: {  	[sflag:s1] =	ssyncadd.s32 $0xFFFF9C00  }
0x1b1: {  	_ =	swait.ge [sflag:s1], $0xC80  }
0x1b2: {  	[sflag:s1] =	ssyncset.done $0x0  }
0x1b3: {  	[sflag:s1] =	ssyncadd.s32 $0xFFFFF380  }
0x1b4: {  	_ =	swait.ge [sflag:s1], $0x6400  }
0x1b5: {  	[sflag:s1] =	ssyncset.done $0x0  }
0x1b6: {  	[sflag:s1] =	ssyncadd.s32 $0xFFFF9C00  }
0x1b7: {  	_ =	swait.ge [sflag:s1], $0xC80  }
0x1b8: {  	[sflag:s1] =	ssyncset.done $0x0  }
0x1b9: {  	[sflag:s1] =	ssyncadd.s32 $0xFFFFF380  }
0x1ba: {  	_ =	swait.ge [sflag:s1], $0x6400  }
0x1bb: {  	[sflag:s1] =	ssyncset.done $0x0  }
0x1bc: {  	[sflag:s1] =	ssyncadd.s32 $0xFFFF9C00  }
0x1bd: {  	_ =	swait.ge [sflag:s1], $0xC80  }
0x1be: {  	[sflag:s1] =	ssyncset.done $0x0  }
0x1bf: {  	[sflag:s1] =	ssyncadd.s32 $0xFFFFF380  }
0x1c0: {  	_ =	swait.ge [sflag:s1], $0x6400  }
0x1c1: {  	[sflag:s1] =	ssyncset.done $0x0  }
0x1c2: {  	[sflag:s1] =	ssyncadd.s32 $0xFFFF9C00  }
0x1c3: {  	_ =	swait.ge [sflag:s1], $0xC80  }
0x1c4: {  	[sflag:s1] =	ssyncset.done $0x0  }
0x1c5: {  	[sflag:s1] =	ssyncadd.s32 $0xFFFFF380  }
0x1c6: {  	_ =	swait.ge [sflag:s1], $0x6400  }
0x1c7: {  	[sflag:s1] =	ssyncset.done $0x0  }
0x1c8: {  	[sflag:s1] =	ssyncadd.s32 $0xFFFF9C00  }
0x1c9: {  	_ =	swait.ge [sflag:s1], $0xC80  }
0x1ca: {  	[sflag:s1] =	ssyncset.done $0x0  }
0x1cb: {  	[sflag:s1] =	ssyncadd.s32 $0xFFFFF380  }
0x1cc: {  	_ =	swait.ge [sflag:s1], $0x6400  }
0x1cd: {  	[sflag:s1] =	ssyncset.done $0x0  }
0x1ce: {  	[sflag:s1] =	ssyncadd.s32 $0xFFFF9C00  }
0x1cf: {  	_ =	swait.ge [sflag:s1], $0xC80  }
0x1d0: {  	[sflag:s1] =	ssyncset.done $0x0  }
0x1d1: {  	[sflag:s1] =	ssyncadd.s32 $0xFFFFF380  }
0x1d2: {  	_ =	swait.ge [sflag:s1], $0x6400  }
0x1d3: {  	[sflag:s1] =	ssyncset.done $0x0  }
0x1d4: {  	[sflag:s1] =	ssyncadd.s32 $0xFFFF9C00  }
0x1d5: {  	_ =	swait.ge [sflag:s1], $0xC80  }
0x1d6: {  	[sflag:s1] =	ssyncset.done $0x0  }
0x1d7: {  	[sflag:s1] =	ssyncadd.s32 $0xFFFFF380  }
0x1d8: {  	_ =	swait.ge [sflag:s1], $0x6400  }
0x1d9: {  	[sflag:s1] =	ssyncset.done $0x0  }
0x1da: {  	[sflag:s1] =	ssyncadd.s32 $0xFFFF9C00  }
0x1db: {  	_ =	swait.ge [sflag:s1], $0xC80  }
0x1dc: {  	[sflag:s1] =	ssyncset.done $0x0  }
0x1dd: {  	[sflag:s1] =	ssyncadd.s32 $0xFFFFF380  }
0x1de: {  	_ =	sfence.sel $0x180000  }
0x1df: {  	[bflag:$0x0] =	sbarrier.arrive $0xFFFF  }
0x1e0: {  	_ =	strace $0x90000047  }
0x1e1: {  	s0 =	sadd.s32 @!p0 $0x100000, s26;
	[bflag:$0x2] =	sbarrier.arrive $0xFFFF  }
0x1e2: {  	[sflag:s0] =	ssyncadd.tile.s32 @!p0 $0x1;
	_ =	shalt  }
.LBB2_2:
.Ltmp3:
0x1e3: {  	(pc) =	sbr.rel .LBB2_5-.Ltmp3, $3  }
0x1e4: {  	_ =	sdelay $0x1  }
0x1e5: {  	s26 =	rddreg [dreg:$0x3]  }
0x1e6: {  	s3 =	rddreg [dreg:$0x11]  }
.Lfunc_end2:
_tile_overlayer_lowered:
.L_overlay_start_2:
0x1e7: {  	(tag) =	ssettag $0x2  }
0x1e8: {  	s0 =	rddreg [dreg:$0x0];
	s2 =	stileid.u32  }
0x1e9: {  	s1 =	rddreg [dreg:$0x1];
	p0 =	sne.s32 s2, $0x0  }
0x1ea: {  	s3 =	rddreg [dreg:$0x2];
	[bflag:$0x3] =	sbarrier.arrive $0xFFFF;
	s2 =	simm.s32 @!p0 $0x1C02  }
0x1eb: {  	[timem:s3], [sflag:s2] =	dma.local @!p0 [hbm:s0], s1  }
0x1ec: {  	s0 =	simm.s32 @!p0 $0x2  }
0x1ed: {  	_ =	swait.ge @!p0 [sflag:s0], s1  }
0x1ee: {  	s1 =	ssub.s32 @!p0 $0x0, s1;
	[sflag:s0] =	ssyncset.done @!p0 $0x0  }
0x1ef: {  	[sflag:s0] =	ssyncadd.s32 @!p0 s1  }
0x1f0: {  	[bflag:$0x3] =	sbarrier.arrive $0xFFFF  }
0x1f1: {  	_ =	shalt  }

</sc_bundles>
